<compile_context>
chip_gen: v7x
topology: tpu7x:2x2x1
jax: 0.10.2.dev20260603
libtpu: 0.0.44.dev20260713+nightly
codegen_flags: <defaults>
</compile_context>

<pallas_src>
import functools

import jax
import jax.numpy as jnp
from jax import lax
from jax.experimental import pallas as pl
from jax.experimental.pallas import tpu as pltpu
from jax.experimental.pallas import tpu_sc as plsc

N = 10000
E = 320000
D = 128

NC = 2
NS = 16
NT = NC * NS
EPT = E // NT
BLK = 80
NJ = EPT // BLK
NPAD = 10240
ROWS_PER_TILE = NPAD // NS

_mesh = plsc.VectorSubcoreMesh(core_axis_name="c", subcore_axis_name="s")


@functools.partial(
    pl.kernel,
    out_type=jax.ShapeDtypeStruct((NC, NPAD, D), jnp.float32),
    mesh=_mesh,
    scratch_types=[
        pltpu.VMEM((NJ, BLK), jnp.int32),
        pltpu.VMEM((NJ, BLK), jnp.int32),
        pltpu.VMEM((BLK, D), jnp.float32),
        pltpu.VMEM_SHARED((NPAD, D), jnp.float32),
        pltpu.SemaphoreType.DMA,
    ],
)
def _agg_kernel(h, src3, dst3, zb, aggp, src_v, dst_v, rows_v, agg_sh, sem):
    c = lax.axis_index("c")
    s = lax.axis_index("s")
    t = c * NS + s
    base = s * ROWS_PER_TILE
    pltpu.sync_copy(zb, agg_sh.at[pl.ds(base, ROWS_PER_TILE)])
    pltpu.sync_copy(src3.at[t], src_v)
    pltpu.sync_copy(dst3.at[t], dst_v)
    plsc.subcore_barrier()

    def body(j, carry):
        pltpu.async_copy(h.at[src_v.at[j]], rows_v, sem).wait()
        pltpu.sync_copy(rows_v, agg_sh.at[dst_v.at[j]], add=True)
        return carry

    lax.fori_loop(0, NJ, body, 0)
    plsc.subcore_barrier()
    pltpu.sync_copy(agg_sh.at[pl.ds(base, ROWS_PER_TILE)],
                    aggp.at[c, pl.ds(base, ROWS_PER_TILE)])


@functools.partial(
    pl.kernel,
    out_type=jax.ShapeDtypeStruct((NT, N), jnp.float32),
    mesh=_mesh,
    scratch_types=[
        pltpu.VMEM((EPT,), jnp.int32),
        pltpu.VMEM((N,), jnp.float32),
    ],
    compiler_params=pltpu.CompilerParams(needs_layout_passes=False),
)
def _deg_kernel(dst2, degp, dst_v, deg_v):
    c = lax.axis_index("c")
    s = lax.axis_index("s")
    t = c * NS + s
    pltpu.sync_copy(dst2.at[t], dst_v)

    def zbody(i, carry):
        deg_v[pl.ds(i * 16, 16)] = jnp.zeros((16,), jnp.float32)
        return carry

    lax.fori_loop(0, N // 16, zbody, 0)
    ones = jnp.ones((16,), jnp.float32)

    def body(j, carry):
        idx = dst_v[pl.ds(j * 16, 16)]
        plsc.addupdate_scatter(deg_v, [idx], ones)
        return carry

    lax.fori_loop(0, EPT // 16, body, 0)
    pltpu.sync_copy(deg_v, degp.at[t])


R = 400


def _dense_body(a_ref, d_ref, h_ref, wl_ref, wr_ref, b_ref, o_ref, *, last):
    deg = jnp.maximum(jnp.sum(d_ref[0], axis=0), 1.0)
    agg = (a_ref[0] + a_ref[1]) / deg[:, None]
    z = (jnp.dot(agg, wl_ref[...], preferred_element_type=jnp.float32)
         + b_ref[...]
         + jnp.dot(h_ref[...], wr_ref[...], preferred_element_type=jnp.float32))
    if last:
        m = jnp.max(z, axis=-1, keepdims=True)
        lse = jnp.log(jnp.sum(jnp.exp(z - m), axis=-1, keepdims=True)) + m
        o_ref[...] = z - lse
    else:
        o_ref[...] = jnp.maximum(z, 0.0)


def _dense(aggp, degt, h, wl, wr, b, last):
    body = functools.partial(_dense_body, last=last)
    return pl.pallas_call(
        body,
        grid=(N // R,),
        in_specs=[
            pl.BlockSpec((NC, R, D), lambda i: (0, i, 0)),
            pl.BlockSpec((1, NT, R), lambda i: (i, 0, 0)),
            pl.BlockSpec((R, D), lambda i: (i, 0)),
            pl.BlockSpec((D, D), lambda i: (0, 0)),
            pl.BlockSpec((D, D), lambda i: (0, 0)),
            pl.BlockSpec((1, D), lambda i: (0, 0)),
        ],
        out_specs=pl.BlockSpec((R, D), lambda i: (i, 0)),
        out_shape=jax.ShapeDtypeStruct((N, D), jnp.float32),
    )(aggp, degt, h, wl, wr, b)


@jax.jit
def kernel(x, edge_index, W1_l, b1, W1_r, W2_l, b2, W2_r):
    src3 = edge_index[0].reshape(NT, NJ, BLK)
    dst3 = edge_index[1].reshape(NT, NJ, BLK)
    dst2 = edge_index[1].reshape(NT, EPT)
    zb = jnp.zeros((ROWS_PER_TILE, D), jnp.float32)

    degp = _deg_kernel(dst2)
    degt = degp.reshape(NT, N // R, R).transpose(1, 0, 2)
    aggp1 = _agg_kernel(x, src3, dst3, zb)
    h1 = _dense(aggp1, degt, x, W1_l, W1_r, b1.reshape(1, D), last=False)
    aggp2 = _agg_kernel(h1, src3, dst3, zb)
    out = _dense(aggp2, degt, h1, W2_l, W2_r, b2.reshape(1, D), last=True)
    return out

# --- scband reference (transcript-rebuilt; emitter-appended) ---
"""Pipeline reference for scband-sage-22505628631134 (READ-ONLY COPY).

The authoritative reference and input builder live on the scoring server;
editing this copy changes nothing except your own understanding.
"""

import jax, jax.numpy as jnp
import numpy as np

N = 10000
E = 320000
D_IN = 128
D_H = 128
D_OUT = 128


def setup_inputs(seed: int = 0) -> dict:
    key = jax.random.key(seed)
    ks = jax.random.split(key, 8)
    x = jax.random.normal(ks[0], (N, D_IN), dtype=jnp.float32)
    edge_index = jax.random.randint(ks[1], (2, E), 0, N, dtype=jnp.int32)
    s1 = 1.0 / np.sqrt(D_IN)
    s2 = 1.0 / np.sqrt(D_H)
    W1_l = jax.random.uniform(ks[2], (D_IN, D_H), dtype=jnp.float32, minval=-s1, maxval=s1)
    b1 = jnp.zeros((D_H,), dtype=jnp.float32)
    W1_r = jax.random.uniform(ks[3], (D_IN, D_H), dtype=jnp.float32, minval=-s1, maxval=s1)
    W2_l = jax.random.uniform(ks[4], (D_H, D_OUT), dtype=jnp.float32, minval=-s2, maxval=s2)
    b2 = jnp.zeros((D_OUT,), dtype=jnp.float32)
    W2_r = jax.random.uniform(ks[5], (D_H, D_OUT), dtype=jnp.float32, minval=-s2, maxval=s2)
    return {"x": x, "edge_index": edge_index, "W1_l": W1_l, "b1": b1, "W1_r": W1_r, "W2_l": W2_l, "b2": b2, "W2_r": W2_r}


def reference(x, edge_index, W1_l, b1, W1_r, W2_l, b2, W2_r):
    # SAGE with 2 SAGEConv layers (PyG-style mean aggregation):
    #   out = lin_l(mean_{j in N(i)} x_j) + lin_r(x_i)
    # dropout is identity in eval mode.
    src = edge_index[0]
    dst = edge_index[1]
    deg = jax.ops.segment_sum(jnp.ones((E,), dtype=jnp.float32), dst, num_segments=N)
    deg = jnp.maximum(deg, 1.0)

    def sage_conv(h, Wl, b, Wr):
        msg = jnp.take(h, src, axis=0)  # gather source node features per edge
        agg = jax.ops.segment_sum(msg, dst, num_segments=N) / deg[:, None]  # mean aggregation
        return agg @ Wl + b + h @ Wr

    h = jax.nn.relu(sage_conv(x, W1_l, b1, W1_r))
    out = sage_conv(h, W2_l, b2, W2_r)
    return jax.nn.log_softmax(out, axis=-1)

if __name__ == "__main__":
    import jax
    _d = setup_inputs()
    print(jax.jit(kernel)(*tuple(_d.values())))

</pallas_src>

<mosaic_0001>
#map = affine_map<(d0, d1) -> (0, 0)>
#map1 = affine_map<(d0, d1) -> (0, 0, 0)>
module attributes {stable_mosaic.version = 14 : i64} {
  func.func @_agg_kernel(%arg0: i32, %arg1: i32, %arg2: memref<10000x128xf32, #tpu.memory_space<hbm>>, %arg3: memref<32x125x80xi32, #tpu.memory_space<hbm>>, %arg4: memref<32x125x80xi32, #tpu.memory_space<hbm>>, %arg5: memref<640x128xf32, #tpu.memory_space<hbm>>, %arg6: memref<2x10240x128xf32, #tpu.memory_space<hbm>>, %arg7: memref<125x80xi32, #tpu.memory_space<vmem>>, %arg8: memref<125x80xi32, #tpu.memory_space<vmem>>, %arg9: memref<80x128xf32, #tpu.memory_space<vmem>>, %arg10: memref<10240x128xf32, #tpu.memory_space<vmem_shared>>, %arg11: memref<!tpu.dma_semaphore, #tpu.memory_space<semaphore_mem>>) attributes {dimension_semantics = [#tpu.dimension_semantics<core_parallel>, #tpu.dimension_semantics<subcore_parallel>], iteration_bounds = array<i64: 2, 16>, scalar_prefetch = 0 : i64, scratch_operands = 5 : i64, tpu.core_type = #tpu.core_type<sc_vector_subcore>, window_params = [{transform_indices = #map}, {transform_indices = #map1}, {transform_indices = #map1}, {transform_indices = #map}, {transform_indices = #map1}]} {
    %mul3A = arith.constant 16 : i32
    %mul3A_0 = arith.muli %arg0, %mul3A : i32
    %add3A = arith.addi %mul3A_0, %arg1 : i32
    %mul3A_1 = arith.constant 640 : i32
    %mul3A_2 = arith.muli %arg1, %mul3A_1 : i32
    "tpu.region"() ({
      %run_scoped3A = tpu.sem_alloc : memref<!tpu.dma_semaphore, #tpu.memory_space<semaphore_mem>>
      %dma_start3A = arith.constant 0 : i32
      %dma_start3A_9 = tpu.memref_slice %arg10[%mul3A_2, %dma_start3A] : memref<10240x128xf32, #tpu.memory_space<vmem_shared>> -> memref<640x128xf32, #tpu.memory_space<vmem_shared>>
      tpu.enqueue_dma source(%arg5 : memref<640x128xf32, #tpu.memory_space<hbm>>) target(%dma_start3A_9 : memref<640x128xf32, #tpu.memory_space<vmem_shared>>) target_semaphore(%run_scoped3A : memref<!tpu.dma_semaphore, #tpu.memory_space<semaphore_mem>>)
      %dma_wait3A = arith.constant 0 : i32
      %dma_wait3A_10 = tpu.memref_slice %arg10[%mul3A_2, %dma_wait3A] : memref<10240x128xf32, #tpu.memory_space<vmem_shared>> -> memref<640x128xf32, #tpu.memory_space<vmem_shared>>
      tpu.wait_dma2 semaphore(%run_scoped3A : memref<!tpu.dma_semaphore, #tpu.memory_space<semaphore_mem>>) src(%arg5 : memref<640x128xf32, #tpu.memory_space<hbm>>) dst(%dma_wait3A_10 : memref<640x128xf32, #tpu.memory_space<vmem_shared>>)
      tpu.yield
    }) : () -> ()
    "tpu.region"() ({
      %run_scoped3A = tpu.sem_alloc : memref<!tpu.dma_semaphore, #tpu.memory_space<semaphore_mem>>
      %dma_start3A = arith.constant 0 : i32
      %dma_start3A_9 = arith.constant 0 : i32
      %dma_start3A_10 = tpu.memref_slice %arg3[%add3A, %dma_start3A, %dma_start3A_9] : memref<32x125x80xi32, #tpu.memory_space<hbm>> -> memref<1x125x80xi32, #tpu.memory_space<hbm>>
      %dma_start3A_11 = tpu.memref_squeeze %dma_start3A_10 : memref<1x125x80xi32, #tpu.memory_space<hbm>> -> memref<125x80xi32, #tpu.memory_space<hbm>>
      %dma_start3A_12 = arith.constant 0 : i32
      %dma_start3A_13 = arith.constant 0 : i32
      %dma_start3A_14 = tpu.memref_slice %arg3[%add3A, %dma_start3A_12, %dma_start3A_13] : memref<32x125x80xi32, #tpu.memory_space<hbm>> -> memref<1x125x80xi32, #tpu.memory_space<hbm>>
      %dma_start3A_15 = tpu.memref_squeeze %dma_start3A_14 : memref<1x125x80xi32, #tpu.memory_space<hbm>> -> memref<125x80xi32, #tpu.memory_space<hbm>>
      tpu.enqueue_dma source(%dma_start3A_15 : memref<125x80xi32, #tpu.memory_space<hbm>>) target(%arg7 : memref<125x80xi32, #tpu.memory_space<vmem>>) target_semaphore(%run_scoped3A : memref<!tpu.dma_semaphore, #tpu.memory_space<semaphore_mem>>)
      %dma_wait3A = arith.constant 0 : i32
      %dma_wait3A_16 = arith.constant 0 : i32
      %dma_wait3A_17 = tpu.memref_slice %arg3[%add3A, %dma_wait3A, %dma_wait3A_16] : memref<32x125x80xi32, #tpu.memory_space<hbm>> -> memref<1x125x80xi32, #tpu.memory_space<hbm>>
      %dma_wait3A_18 = tpu.memref_squeeze %dma_wait3A_17 : memref<1x125x80xi32, #tpu.memory_space<hbm>> -> memref<125x80xi32, #tpu.memory_space<hbm>>
      %dma_wait3A_19 = arith.constant 0 : i32
      %dma_wait3A_20 = arith.constant 0 : i32
      %dma_wait3A_21 = tpu.memref_slice %arg3[%add3A, %dma_wait3A_19, %dma_wait3A_20] : memref<32x125x80xi32, #tpu.memory_space<hbm>> -> memref<1x125x80xi32, #tpu.memory_space<hbm>>
      %dma_wait3A_22 = tpu.memref_squeeze %dma_wait3A_21 : memref<1x125x80xi32, #tpu.memory_space<hbm>> -> memref<125x80xi32, #tpu.memory_space<hbm>>
      tpu.wait_dma2 semaphore(%run_scoped3A : memref<!tpu.dma_semaphore, #tpu.memory_space<semaphore_mem>>) src(%dma_wait3A_22 : memref<125x80xi32, #tpu.memory_space<hbm>>) dst(%arg7 : memref<125x80xi32, #tpu.memory_space<vmem>>)
      tpu.yield
    }) : () -> ()
    "tpu.region"() ({
      %run_scoped3A = tpu.sem_alloc : memref<!tpu.dma_semaphore, #tpu.memory_space<semaphore_mem>>
      %dma_start3A = arith.constant 0 : i32
      %dma_start3A_9 = arith.constant 0 : i32
      %dma_start3A_10 = tpu.memref_slice %arg4[%add3A, %dma_start3A, %dma_start3A_9] : memref<32x125x80xi32, #tpu.memory_space<hbm>> -> memref<1x125x80xi32, #tpu.memory_space<hbm>>
      %dma_start3A_11 = tpu.memref_squeeze %dma_start3A_10 : memref<1x125x80xi32, #tpu.memory_space<hbm>> -> memref<125x80xi32, #tpu.memory_space<hbm>>
      %dma_start3A_12 = arith.constant 0 : i32
      %dma_start3A_13 = arith.constant 0 : i32
      %dma_start3A_14 = tpu.memref_slice %arg4[%add3A, %dma_start3A_12, %dma_start3A_13] : memref<32x125x80xi32, #tpu.memory_space<hbm>> -> memref<1x125x80xi32, #tpu.memory_space<hbm>>
      %dma_start3A_15 = tpu.memref_squeeze %dma_start3A_14 : memref<1x125x80xi32, #tpu.memory_space<hbm>> -> memref<125x80xi32, #tpu.memory_space<hbm>>
      tpu.enqueue_dma source(%dma_start3A_15 : memref<125x80xi32, #tpu.memory_space<hbm>>) target(%arg8 : memref<125x80xi32, #tpu.memory_space<vmem>>) target_semaphore(%run_scoped3A : memref<!tpu.dma_semaphore, #tpu.memory_space<semaphore_mem>>)
      %dma_wait3A = arith.constant 0 : i32
      %dma_wait3A_16 = arith.constant 0 : i32
      %dma_wait3A_17 = tpu.memref_slice %arg4[%add3A, %dma_wait3A, %dma_wait3A_16] : memref<32x125x80xi32, #tpu.memory_space<hbm>> -> memref<1x125x80xi32, #tpu.memory_space<hbm>>
      %dma_wait3A_18 = tpu.memref_squeeze %dma_wait3A_17 : memref<1x125x80xi32, #tpu.memory_space<hbm>> -> memref<125x80xi32, #tpu.memory_space<hbm>>
      %dma_wait3A_19 = arith.constant 0 : i32
      %dma_wait3A_20 = arith.constant 0 : i32
      %dma_wait3A_21 = tpu.memref_slice %arg4[%add3A, %dma_wait3A_19, %dma_wait3A_20] : memref<32x125x80xi32, #tpu.memory_space<hbm>> -> memref<1x125x80xi32, #tpu.memory_space<hbm>>
      %dma_wait3A_22 = tpu.memref_squeeze %dma_wait3A_21 : memref<1x125x80xi32, #tpu.memory_space<hbm>> -> memref<125x80xi32, #tpu.memory_space<hbm>>
      tpu.wait_dma2 semaphore(%run_scoped3A : memref<!tpu.dma_semaphore, #tpu.memory_space<semaphore_mem>>) src(%dma_wait3A_22 : memref<125x80xi32, #tpu.memory_space<hbm>>) dst(%arg8 : memref<125x80xi32, #tpu.memory_space<vmem>>)
      tpu.yield
    }) : () -> ()
    %barrier3A = arith.constant 0 : index
    tpu.barrier barrier_id(%barrier3A)
    %scan3A = arith.constant 0 : i32
    %scan3A_3 = arith.constant 0 : i32
    %scan3A_4 = arith.constant 125 : i32
    %scan3A_5 = arith.addi %scan3A_3, %scan3A_4 : i32
    %scan3A_6 = arith.constant 1 : i32
    scf.for %scan3A_9 = %scan3A_3 to %scan3A_5 step %scan3A_6  : i32 {
      %dma_start3A = arith.constant 0 : i32
      %dma_start3A_10 = tpu.memref_slice %arg7[%scan3A_9, %dma_start3A] : memref<125x80xi32, #tpu.memory_space<vmem>> -> memref<1x80xi32, #tpu.memory_space<vmem>>
      %dma_start3A_11 = tpu.memref_squeeze %dma_start3A_10 : memref<1x80xi32, #tpu.memory_space<vmem>> -> memref<80xi32, #tpu.memory_space<vmem>>
      %dma_start3A_12 = arith.constant 0 : i32
      %dma_start3A_13 = arith.constant 0 : i32
      %dma_start3A_14 = tpu.memref_slice %arg2[%dma_start3A_12, %dma_start3A_13] : memref<10000x128xf32, #tpu.memory_space<hbm>> -> memref<10000x128xf32, #tpu.memory_space<hbm>>
      tpu.enqueue_indirect_dma source(%dma_start3A_14 : memref<10000x128xf32, #tpu.memory_space<hbm>>) target(%arg9 : memref<80x128xf32, #tpu.memory_space<vmem>>) offsets(%dma_start3A_11 : memref<80xi32, #tpu.memory_space<vmem>>) semaphore(%arg11 : memref<!tpu.dma_semaphore, #tpu.memory_space<semaphore_mem>>)
      %dma_wait3A = arith.constant 0 : i32
      %dma_wait3A_15 = tpu.memref_slice %arg7[%scan3A_9, %dma_wait3A] : memref<125x80xi32, #tpu.memory_space<vmem>> -> memref<1x80xi32, #tpu.memory_space<vmem>>
      %dma_wait3A_16 = tpu.memref_squeeze %dma_wait3A_15 : memref<1x80xi32, #tpu.memory_space<vmem>> -> memref<80xi32, #tpu.memory_space<vmem>>
      %dma_wait3A_17 = arith.constant 0 : i32
      %dma_wait3A_18 = arith.constant 0 : i32
      %dma_wait3A_19 = tpu.memref_slice %arg2[%dma_wait3A_17, %dma_wait3A_18] : memref<10000x128xf32, #tpu.memory_space<hbm>> -> memref<10000x128xf32, #tpu.memory_space<hbm>>
      tpu.wait_indirect_dma semaphore(%arg11 : memref<!tpu.dma_semaphore, #tpu.memory_space<semaphore_mem>>) src(%dma_wait3A_19 : memref<10000x128xf32, #tpu.memory_space<hbm>>) dst(%arg9 : memref<80x128xf32, #tpu.memory_space<vmem>>)
      "tpu.region"() ({
        %run_scoped3A = tpu.sem_alloc : memref<!tpu.dma_semaphore, #tpu.memory_space<semaphore_mem>>
        %dma_start3A_20 = arith.constant 0 : i32
        %dma_start3A_21 = tpu.memref_slice %arg8[%scan3A_9, %dma_start3A_20] : memref<125x80xi32, #tpu.memory_space<vmem>> -> memref<1x80xi32, #tpu.memory_space<vmem>>
        %dma_start3A_22 = tpu.memref_squeeze %dma_start3A_21 : memref<1x80xi32, #tpu.memory_space<vmem>> -> memref<80xi32, #tpu.memory_space<vmem>>
        %dma_start3A_23 = arith.constant 0 : i32
        %dma_start3A_24 = arith.constant 0 : i32
        %dma_start3A_25 = tpu.memref_slice %arg10[%dma_start3A_23, %dma_start3A_24] : memref<10240x128xf32, #tpu.memory_space<vmem_shared>> -> memref<10240x128xf32, #tpu.memory_space<vmem_shared>>
        tpu.enqueue_indirect_dma source(%arg9 : memref<80x128xf32, #tpu.memory_space<vmem>>) target(%dma_start3A_25 : memref<10240x128xf32, #tpu.memory_space<vmem_shared>>) offsets(%dma_start3A_22 : memref<80xi32, #tpu.memory_space<vmem>>) semaphore(%run_scoped3A : memref<!tpu.dma_semaphore, #tpu.memory_space<semaphore_mem>>) {add = true}
        %dma_wait3A_26 = arith.constant 0 : i32
        %dma_wait3A_27 = tpu.memref_slice %arg8[%scan3A_9, %dma_wait3A_26] : memref<125x80xi32, #tpu.memory_space<vmem>> -> memref<1x80xi32, #tpu.memory_space<vmem>>
        %dma_wait3A_28 = tpu.memref_squeeze %dma_wait3A_27 : memref<1x80xi32, #tpu.memory_space<vmem>> -> memref<80xi32, #tpu.memory_space<vmem>>
        %dma_wait3A_29 = arith.constant 0 : i32
        %dma_wait3A_30 = arith.constant 0 : i32
        %dma_wait3A_31 = tpu.memref_slice %arg10[%dma_wait3A_29, %dma_wait3A_30] : memref<10240x128xf32, #tpu.memory_space<vmem_shared>> -> memref<10240x128xf32, #tpu.memory_space<vmem_shared>>
        tpu.wait_indirect_dma semaphore(%run_scoped3A : memref<!tpu.dma_semaphore, #tpu.memory_space<semaphore_mem>>) src(%arg9 : memref<80x128xf32, #tpu.memory_space<vmem>>) dst(%dma_wait3A_31 : memref<10240x128xf32, #tpu.memory_space<vmem_shared>>)
        tpu.yield
      }) : () -> ()
    }
    %scan3A_7 = arith.constant 125 : i32
    %barrier3A_8 = arith.constant 0 : index
    tpu.barrier barrier_id(%barrier3A_8)
    "tpu.region"() ({
      %run_scoped3A = tpu.sem_alloc : memref<!tpu.dma_semaphore, #tpu.memory_space<semaphore_mem>>
      %dma_start3A = arith.constant 0 : i32
      %dma_start3A_9 = tpu.memref_slice %arg6[%arg0, %mul3A_2, %dma_start3A] : memref<2x10240x128xf32, #tpu.memory_space<hbm>> -> memref<1x640x128xf32, #tpu.memory_space<hbm>>
      %dma_start3A_10 = tpu.memref_squeeze %dma_start3A_9 : memref<1x640x128xf32, #tpu.memory_space<hbm>> -> memref<640x128xf32, #tpu.memory_space<hbm>>
      %dma_start3A_11 = arith.constant 0 : i32
      %dma_start3A_12 = tpu.memref_slice %arg10[%mul3A_2, %dma_start3A_11] : memref<10240x128xf32, #tpu.memory_space<vmem_shared>> -> memref<640x128xf32, #tpu.memory_space<vmem_shared>>
      tpu.enqueue_dma source(%dma_start3A_12 : memref<640x128xf32, #tpu.memory_space<vmem_shared>>) target(%dma_start3A_10 : memref<640x128xf32, #tpu.memory_space<hbm>>) target_semaphore(%run_scoped3A : memref<!tpu.dma_semaphore, #tpu.memory_space<semaphore_mem>>)
      %dma_wait3A = arith.constant 0 : i32
      %dma_wait3A_13 = tpu.memref_slice %arg6[%arg0, %mul3A_2, %dma_wait3A] : memref<2x10240x128xf32, #tpu.memory_space<hbm>> -> memref<1x640x128xf32, #tpu.memory_space<hbm>>
      %dma_wait3A_14 = tpu.memref_squeeze %dma_wait3A_13 : memref<1x640x128xf32, #tpu.memory_space<hbm>> -> memref<640x128xf32, #tpu.memory_space<hbm>>
      %dma_wait3A_15 = arith.constant 0 : i32
      %dma_wait3A_16 = tpu.memref_slice %arg10[%mul3A_2, %dma_wait3A_15] : memref<10240x128xf32, #tpu.memory_space<vmem_shared>> -> memref<640x128xf32, #tpu.memory_space<vmem_shared>>
      tpu.wait_dma2 semaphore(%run_scoped3A : memref<!tpu.dma_semaphore, #tpu.memory_space<semaphore_mem>>) src(%dma_wait3A_16 : memref<640x128xf32, #tpu.memory_space<vmem_shared>>) dst(%dma_wait3A_14 : memref<640x128xf32, #tpu.memory_space<hbm>>)
      tpu.yield
    }) : () -> ()
    return
  }
}

#map = affine_map<(d0, d1) -> (0, 0)>
#map1 = affine_map<(d0, d1) -> (0, 0, 0)>
module attributes {stable_mosaic.version = 14 : i64} {
  func.func @_agg_kernel(%arg0: i32, %arg1: i32, %arg2: memref<10000x128xf32, #tpu.memory_space<hbm>>, %arg3: memref<32x125x80xi32, #tpu.memory_space<hbm>>, %arg4: memref<32x125x80xi32, #tpu.memory_space<hbm>>, %arg5: memref<640x128xf32, #tpu.memory_space<hbm>>, %arg6: memref<2x10240x128xf32, #tpu.memory_space<hbm>>, %arg7: memref<125x80xi32, #tpu.memory_space<vmem>>, %arg8: memref<125x80xi32, #tpu.memory_space<vmem>>, %arg9: memref<80x128xf32, #tpu.memory_space<vmem>>, %arg10: memref<10240x128xf32, #tpu.memory_space<vmem_shared>>, %arg11: memref<!tpu.dma_semaphore, #tpu.memory_space<semaphore_mem>>) attributes {dimension_semantics = [#tpu.dimension_semantics<core_parallel>, #tpu.dimension_semantics<subcore_parallel>], iteration_bounds = array<i64: 2, 16>, scalar_prefetch = 0 : i64, scratch_operands = 5 : i64, tpu.core_type = #tpu.core_type<sc_vector_subcore>, window_params = [{transform_indices = #map}, {transform_indices = #map1}, {transform_indices = #map1}, {transform_indices = #map}, {transform_indices = #map1}]} {
    %mul3A = arith.constant 16 : i32
    %mul3A_0 = arith.muli %arg0, %mul3A : i32
    %add3A = arith.addi %mul3A_0, %arg1 : i32
    %mul3A_1 = arith.constant 640 : i32
    %mul3A_2 = arith.muli %arg1, %mul3A_1 : i32
    "tpu.region"() ({
      %run_scoped3A = tpu.sem_alloc : memref<!tpu.dma_semaphore, #tpu.memory_space<semaphore_mem>>
      %dma_start3A = arith.constant 0 : i32
      %dma_start3A_9 = tpu.memref_slice %arg10[%mul3A_2, %dma_start3A] : memref<10240x128xf32, #tpu.memory_space<vmem_shared>> -> memref<640x128xf32, #tpu.memory_space<vmem_shared>>
      tpu.enqueue_dma source(%arg5 : memref<640x128xf32, #tpu.memory_space<hbm>>) target(%dma_start3A_9 : memref<640x128xf32, #tpu.memory_space<vmem_shared>>) target_semaphore(%run_scoped3A : memref<!tpu.dma_semaphore, #tpu.memory_space<semaphore_mem>>)
      %dma_wait3A = arith.constant 0 : i32
      %dma_wait3A_10 = tpu.memref_slice %arg10[%mul3A_2, %dma_wait3A] : memref<10240x128xf32, #tpu.memory_space<vmem_shared>> -> memref<640x128xf32, #tpu.memory_space<vmem_shared>>
      tpu.wait_dma2 semaphore(%run_scoped3A : memref<!tpu.dma_semaphore, #tpu.memory_space<semaphore_mem>>) src(%arg5 : memref<640x128xf32, #tpu.memory_space<hbm>>) dst(%dma_wait3A_10 : memref<640x128xf32, #tpu.memory_space<vmem_shared>>)
      tpu.yield
    }) : () -> ()
    "tpu.region"() ({
      %run_scoped3A = tpu.sem_alloc : memref<!tpu.dma_semaphore, #tpu.memory_space<semaphore_mem>>
      %dma_start3A = arith.constant 0 : i32
      %dma_start3A_9 = arith.constant 0 : i32
      %dma_start3A_10 = tpu.memref_slice %arg3[%add3A, %dma_start3A, %dma_start3A_9] : memref<32x125x80xi32, #tpu.memory_space<hbm>> -> memref<1x125x80xi32, #tpu.memory_space<hbm>>
      %dma_start3A_11 = tpu.memref_squeeze %dma_start3A_10 : memref<1x125x80xi32, #tpu.memory_space<hbm>> -> memref<125x80xi32, #tpu.memory_space<hbm>>
      %dma_start3A_12 = arith.constant 0 : i32
      %dma_start3A_13 = arith.constant 0 : i32
      %dma_start3A_14 = tpu.memref_slice %arg3[%add3A, %dma_start3A_12, %dma_start3A_13] : memref<32x125x80xi32, #tpu.memory_space<hbm>> -> memref<1x125x80xi32, #tpu.memory_space<hbm>>
      %dma_start3A_15 = tpu.memref_squeeze %dma_start3A_14 : memref<1x125x80xi32, #tpu.memory_space<hbm>> -> memref<125x80xi32, #tpu.memory_space<hbm>>
      tpu.enqueue_dma source(%dma_start3A_15 : memref<125x80xi32, #tpu.memory_space<hbm>>) target(%arg7 : memref<125x80xi32, #tpu.memory_space<vmem>>) target_semaphore(%run_scoped3A : memref<!tpu.dma_semaphore, #tpu.memory_space<semaphore_mem>>)
      %dma_wait3A = arith.constant 0 : i32
      %dma_wait3A_16 = arith.constant 0 : i32
      %dma_wait3A_17 = tpu.memref_slice %arg3[%add3A, %dma_wait3A, %dma_wait3A_16] : memref<32x125x80xi32, #tpu.memory_space<hbm>> -> memref<1x125x80xi32, #tpu.memory_space<hbm>>
      %dma_wait3A_18 = tpu.memref_squeeze %dma_wait3A_17 : memref<1x125x80xi32, #tpu.memory_space<hbm>> -> memref<125x80xi32, #tpu.memory_space<hbm>>
      %dma_wait3A_19 = arith.constant 0 : i32
      %dma_wait3A_20 = arith.constant 0 : i32
      %dma_wait3A_21 = tpu.memref_slice %arg3[%add3A, %dma_wait3A_19, %dma_wait3A_20] : memref<32x125x80xi32, #tpu.memory_space<hbm>> -> memref<1x125x80xi32, #tpu.memory_space<hbm>>
      %dma_wait3A_22 = tpu.memref_squeeze %dma_wait3A_21 : memref<1x125x80xi32, #tpu.memory_space<hbm>> -> memref<125x80xi32, #tpu.memory_space<hbm>>
      tpu.wait_dma2 semaphore(%run_scoped3A : memref<!tpu.dma_semaphore, #tpu.memory_space<semaphore_mem>>) src(%dma_wait3A_22 : memref<125x80xi32, #tpu.memory_space<hbm>>) dst(%arg7 : memref<125x80xi32, #tpu.memory_space<vmem>>)
      tpu.yield
    }) : () -> ()
    "tpu.region"() ({
      %run_scoped3A = tpu.sem_alloc : memref<!tpu.dma_semaphore, #tpu.memory_space<semaphore_mem>>
      %dma_start3A = arith.constant 0 : i32
      %dma_start3A_9 = arith.constant 0 : i32
      %dma_start3A_10 = tpu.memref_slice %arg4[%add3A, %dma_start3A, %dma_start3A_9] : memref<32x125x80xi32, #tpu.memory_space<hbm>> -> memref<1x125x80xi32, #tpu.memory_space<hbm>>
      %dma_start3A_11 = tpu.memref_squeeze %dma_start3A_10 : memref<1x125x80xi32, #tpu.memory_space<hbm>> -> memref<125x80xi32, #tpu.memory_space<hbm>>
      %dma_start3A_12 = arith.constant 0 : i32
      %dma_start3A_13 = arith.constant 0 : i32
      %dma_start3A_14 = tpu.memref_slice %arg4[%add3A, %dma_start3A_12, %dma_start3A_13] : memref<32x125x80xi32, #tpu.memory_space<hbm>> -> memref<1x125x80xi32, #tpu.memory_space<hbm>>
      %dma_start3A_15 = tpu.memref_squeeze %dma_start3A_14 : memref<1x125x80xi32, #tpu.memory_space<hbm>> -> memref<125x80xi32, #tpu.memory_space<hbm>>
      tpu.enqueue_dma source(%dma_start3A_15 : memref<125x80xi32, #tpu.memory_space<hbm>>) target(%arg8 : memref<125x80xi32, #tpu.memory_space<vmem>>) target_semaphore(%run_scoped3A : memref<!tpu.dma_semaphore, #tpu.memory_space<semaphore_mem>>)
      %dma_wait3A = arith.constant 0 : i32
      %dma_wait3A_16 = arith.constant 0 : i32
      %dma_wait3A_17 = tpu.memref_slice %arg4[%add3A, %dma_wait3A, %dma_wait3A_16] : memref<32x125x80xi32, #tpu.memory_space<hbm>> -> memref<1x125x80xi32, #tpu.memory_space<hbm>>
      %dma_wait3A_18 = tpu.memref_squeeze %dma_wait3A_17 : memref<1x125x80xi32, #tpu.memory_space<hbm>> -> memref<125x80xi32, #tpu.memory_space<hbm>>
      %dma_wait3A_19 = arith.constant 0 : i32
      %dma_wait3A_20 = arith.constant 0 : i32
      %dma_wait3A_21 = tpu.memref_slice %arg4[%add3A, %dma_wait3A_19, %dma_wait3A_20] : memref<32x125x80xi32, #tpu.memory_space<hbm>> -> memref<1x125x80xi32, #tpu.memory_space<hbm>>
      %dma_wait3A_22 = tpu.memref_squeeze %dma_wait3A_21 : memref<1x125x80xi32, #tpu.memory_space<hbm>> -> memref<125x80xi32, #tpu.memory_space<hbm>>
      tpu.wait_dma2 semaphore(%run_scoped3A : memref<!tpu.dma_semaphore, #tpu.memory_space<semaphore_mem>>) src(%dma_wait3A_22 : memref<125x80xi32, #tpu.memory_space<hbm>>) dst(%arg8 : memref<125x80xi32, #tpu.memory_space<vmem>>)
      tpu.yield
    }) : () -> ()
    %barrier3A = arith.constant 0 : index
    tpu.barrier barrier_id(%barrier3A)
    %scan3A = arith.constant 0 : i32
    %scan3A_3 = arith.constant 0 : i32
    %scan3A_4 = arith.constant 125 : i32
    %scan3A_5 = arith.addi %scan3A_3, %scan3A_4 : i32
    %scan3A_6 = arith.constant 1 : i32
    scf.for %scan3A_9 = %scan3A_3 to %scan3A_5 step %scan3A_6  : i32 {
      %dma_start3A = arith.constant 0 : i32
      %dma_start3A_10 = tpu.memref_slice %arg7[%scan3A_9, %dma_start3A] : memref<125x80xi32, #tpu.memory_space<vmem>> -> memref<1x80xi32, #tpu.memory_space<vmem>>
      %dma_start3A_11 = tpu.memref_squeeze %dma_start3A_10 : memref<1x80xi32, #tpu.memory_space<vmem>> -> memref<80xi32, #tpu.memory_space<vmem>>
      %dma_start3A_12 = arith.constant 0 : i32
      %dma_start3A_13 = arith.constant 0 : i32
      %dma_start3A_14 = tpu.memref_slice %arg2[%dma_start3A_12, %dma_start3A_13] : memref<10000x128xf32, #tpu.memory_space<hbm>> -> memref<10000x128xf32, #tpu.memory_space<hbm>>
      tpu.enqueue_indirect_dma source(%dma_start3A_14 : memref<10000x128xf32, #tpu.memory_space<hbm>>) target(%arg9 : memref<80x128xf32, #tpu.memory_space<vmem>>) offsets(%dma_start3A_11 : memref<80xi32, #tpu.memory_space<vmem>>) semaphore(%arg11 : memref<!tpu.dma_semaphore, #tpu.memory_space<semaphore_mem>>)
      %dma_wait3A = arith.constant 0 : i32
      %dma_wait3A_15 = tpu.memref_slice %arg7[%scan3A_9, %dma_wait3A] : memref<125x80xi32, #tpu.memory_space<vmem>> -> memref<1x80xi32, #tpu.memory_space<vmem>>
      %dma_wait3A_16 = tpu.memref_squeeze %dma_wait3A_15 : memref<1x80xi32, #tpu.memory_space<vmem>> -> memref<80xi32, #tpu.memory_space<vmem>>
      %dma_wait3A_17 = arith.constant 0 : i32
      %dma_wait3A_18 = arith.constant 0 : i32
      %dma_wait3A_19 = tpu.memref_slice %arg2[%dma_wait3A_17, %dma_wait3A_18] : memref<10000x128xf32, #tpu.memory_space<hbm>> -> memref<10000x128xf32, #tpu.memory_space<hbm>>
      tpu.wait_indirect_dma semaphore(%arg11 : memref<!tpu.dma_semaphore, #tpu.memory_space<semaphore_mem>>) src(%dma_wait3A_19 : memref<10000x128xf32, #tpu.memory_space<hbm>>) dst(%arg9 : memref<80x128xf32, #tpu.memory_space<vmem>>)
      "tpu.region"() ({
        %run_scoped3A = tpu.sem_alloc : memref<!tpu.dma_semaphore, #tpu.memory_space<semaphore_mem>>
        %dma_start3A_20 = arith.constant 0 : i32
        %dma_start3A_21 = tpu.memref_slice %arg8[%scan3A_9, %dma_start3A_20] : memref<125x80xi32, #tpu.memory_space<vmem>> -> memref<1x80xi32, #tpu.memory_space<vmem>>
        %dma_start3A_22 = tpu.memref_squeeze %dma_start3A_21 : memref<1x80xi32, #tpu.memory_space<vmem>> -> memref<80xi32, #tpu.memory_space<vmem>>
        %dma_start3A_23 = arith.constant 0 : i32
        %dma_start3A_24 = arith.constant 0 : i32
        %dma_start3A_25 = tpu.memref_slice %arg10[%dma_start3A_23, %dma_start3A_24] : memref<10240x128xf32, #tpu.memory_space<vmem_shared>> -> memref<10240x128xf32, #tpu.memory_space<vmem_shared>>
        tpu.enqueue_indirect_dma source(%arg9 : memref<80x128xf32, #tpu.memory_space<vmem>>) target(%dma_start3A_25 : memref<10240x128xf32, #tpu.memory_space<vmem_shared>>) offsets(%dma_start3A_22 : memref<80xi32, #tpu.memory_space<vmem>>) semaphore(%run_scoped3A : memref<!tpu.dma_semaphore, #tpu.memory_space<semaphore_mem>>) {add = true}
        %dma_wait3A_26 = arith.constant 0 : i32
        %dma_wait3A_27 = tpu.memref_slice %arg8[%scan3A_9, %dma_wait3A_26] : memref<125x80xi32, #tpu.memory_space<vmem>> -> memref<1x80xi32, #tpu.memory_space<vmem>>
        %dma_wait3A_28 = tpu.memref_squeeze %dma_wait3A_27 : memref<1x80xi32, #tpu.memory_space<vmem>> -> memref<80xi32, #tpu.memory_space<vmem>>
        %dma_wait3A_29 = arith.constant 0 : i32
        %dma_wait3A_30 = arith.constant 0 : i32
        %dma_wait3A_31 = tpu.memref_slice %arg10[%dma_wait3A_29, %dma_wait3A_30] : memref<10240x128xf32, #tpu.memory_space<vmem_shared>> -> memref<10240x128xf32, #tpu.memory_space<vmem_shared>>
        tpu.wait_indirect_dma semaphore(%run_scoped3A : memref<!tpu.dma_semaphore, #tpu.memory_space<semaphore_mem>>) src(%arg9 : memref<80x128xf32, #tpu.memory_space<vmem>>) dst(%dma_wait3A_31 : memref<10240x128xf32, #tpu.memory_space<vmem_shared>>)
        tpu.yield
      }) : () -> ()
    }
    %scan3A_7 = arith.constant 125 : i32
    %barrier3A_8 = arith.constant 0 : index
    tpu.barrier barrier_id(%barrier3A_8)
    "tpu.region"() ({
      %run_scoped3A = tpu.sem_alloc : memref<!tpu.dma_semaphore, #tpu.memory_space<semaphore_mem>>
      %dma_start3A = arith.constant 0 : i32
      %dma_start3A_9 = tpu.memref_slice %arg6[%arg0, %mul3A_2, %dma_start3A] : memref<2x10240x128xf32, #tpu.memory_space<hbm>> -> memref<1x640x128xf32, #tpu.memory_space<hbm>>
      %dma_start3A_10 = tpu.memref_squeeze %dma_start3A_9 : memref<1x640x128xf32, #tpu.memory_space<hbm>> -> memref<640x128xf32, #tpu.memory_space<hbm>>
      %dma_start3A_11 = arith.constant 0 : i32
      %dma_start3A_12 = tpu.memref_slice %arg10[%mul3A_2, %dma_start3A_11] : memref<10240x128xf32, #tpu.memory_space<vmem_shared>> -> memref<640x128xf32, #tpu.memory_space<vmem_shared>>
      tpu.enqueue_dma source(%dma_start3A_12 : memref<640x128xf32, #tpu.memory_space<vmem_shared>>) target(%dma_start3A_10 : memref<640x128xf32, #tpu.memory_space<hbm>>) target_semaphore(%run_scoped3A : memref<!tpu.dma_semaphore, #tpu.memory_space<semaphore_mem>>)
      %dma_wait3A = arith.constant 0 : i32
      %dma_wait3A_13 = tpu.memref_slice %arg6[%arg0, %mul3A_2, %dma_wait3A] : memref<2x10240x128xf32, #tpu.memory_space<hbm>> -> memref<1x640x128xf32, #tpu.memory_space<hbm>>
      %dma_wait3A_14 = tpu.memref_squeeze %dma_wait3A_13 : memref<1x640x128xf32, #tpu.memory_space<hbm>> -> memref<640x128xf32, #tpu.memory_space<hbm>>
      %dma_wait3A_15 = arith.constant 0 : i32
      %dma_wait3A_16 = tpu.memref_slice %arg10[%mul3A_2, %dma_wait3A_15] : memref<10240x128xf32, #tpu.memory_space<vmem_shared>> -> memref<640x128xf32, #tpu.memory_space<vmem_shared>>
      tpu.wait_dma2 semaphore(%run_scoped3A : memref<!tpu.dma_semaphore, #tpu.memory_space<semaphore_mem>>) src(%dma_wait3A_16 : memref<640x128xf32, #tpu.memory_space<vmem_shared>>) dst(%dma_wait3A_14 : memref<640x128xf32, #tpu.memory_space<hbm>>)
      tpu.yield
    }) : () -> ()
    return
  }
}

#map = affine_map<(d0, d1) -> (0, 0)>
module attributes {stable_mosaic.version = 14 : i64} {
  func.func @_deg_kernel(%arg0: i32, %arg1: i32, %arg2: memref<32x10000xi32, #tpu.memory_space<hbm>>, %arg3: memref<32x10000xf32, #tpu.memory_space<hbm>>, %arg4: memref<10000xi32, #tpu.memory_space<vmem>>, %arg5: memref<10000xf32, #tpu.memory_space<vmem>>) attributes {dimension_semantics = [#tpu.dimension_semantics<core_parallel>, #tpu.dimension_semantics<subcore_parallel>], iteration_bounds = array<i64: 2, 16>, scalar_prefetch = 0 : i64, scratch_operands = 2 : i64, tpu.core_type = #tpu.core_type<sc_vector_subcore>, window_params = [{transform_indices = #map}, {transform_indices = #map}]} {
    %mul3A = arith.constant 16 : i32
    %mul3A_0 = arith.muli %arg0, %mul3A : i32
    %add3A = arith.addi %mul3A_0, %arg1 : i32
    "tpu.region"() ({
      %run_scoped3A = tpu.sem_alloc : memref<!tpu.dma_semaphore, #tpu.memory_space<semaphore_mem>>
      %dma_start3A = arith.constant 0 : i32
      %dma_start3A_13 = tpu.memref_slice %arg2[%add3A, %dma_start3A] : memref<32x10000xi32, #tpu.memory_space<hbm>> -> memref<1x10000xi32, #tpu.memory_space<hbm>>
      %dma_start3A_14 = tpu.memref_squeeze %dma_start3A_13 : memref<1x10000xi32, #tpu.memory_space<hbm>> -> memref<10000xi32, #tpu.memory_space<hbm>>
      %dma_start3A_15 = arith.constant 0 : i32
      %dma_start3A_16 = tpu.memref_slice %arg2[%add3A, %dma_start3A_15] : memref<32x10000xi32, #tpu.memory_space<hbm>> -> memref<1x10000xi32, #tpu.memory_space<hbm>>
      %dma_start3A_17 = tpu.memref_squeeze %dma_start3A_16 : memref<1x10000xi32, #tpu.memory_space<hbm>> -> memref<10000xi32, #tpu.memory_space<hbm>>
      tpu.enqueue_dma source(%dma_start3A_17 : memref<10000xi32, #tpu.memory_space<hbm>>) target(%arg4 : memref<10000xi32, #tpu.memory_space<vmem>>) target_semaphore(%run_scoped3A : memref<!tpu.dma_semaphore, #tpu.memory_space<semaphore_mem>>)
      %dma_wait3A = arith.constant 0 : i32
      %dma_wait3A_18 = tpu.memref_slice %arg2[%add3A, %dma_wait3A] : memref<32x10000xi32, #tpu.memory_space<hbm>> -> memref<1x10000xi32, #tpu.memory_space<hbm>>
      %dma_wait3A_19 = tpu.memref_squeeze %dma_wait3A_18 : memref<1x10000xi32, #tpu.memory_space<hbm>> -> memref<10000xi32, #tpu.memory_space<hbm>>
      %dma_wait3A_20 = arith.constant 0 : i32
      %dma_wait3A_21 = tpu.memref_slice %arg2[%add3A, %dma_wait3A_20] : memref<32x10000xi32, #tpu.memory_space<hbm>> -> memref<1x10000xi32, #tpu.memory_space<hbm>>
      %dma_wait3A_22 = tpu.memref_squeeze %dma_wait3A_21 : memref<1x10000xi32, #tpu.memory_space<hbm>> -> memref<10000xi32, #tpu.memory_space<hbm>>
      tpu.wait_dma2 semaphore(%run_scoped3A : memref<!tpu.dma_semaphore, #tpu.memory_space<semaphore_mem>>) src(%dma_wait3A_22 : memref<10000xi32, #tpu.memory_space<hbm>>) dst(%arg4 : memref<10000xi32, #tpu.memory_space<vmem>>)
      tpu.yield
    }) : () -> ()
    %scan3A = arith.constant 0 : i32
    %scan3A_1 = arith.constant 0 : i32
    %scan3A_2 = arith.constant 625 : i32
    %scan3A_3 = arith.addi %scan3A_1, %scan3A_2 : i32
    %scan3A_4 = arith.constant 1 : i32
    scf.for %scan3A_13 = %scan3A_1 to %scan3A_3 step %scan3A_4  : i32 {
      %broadcast_in_dim3A_14 = arith.constant 0.000000e+00 : f32
      %broadcast_in_dim3A_15 = vector.broadcast %broadcast_in_dim3A_14 : f32 to vector<16xf32>
      %mul3A_16 = arith.constant 16 : i32
      %mul3A_17 = arith.muli %scan3A_13, %mul3A_16 : i32
      %swap3A = arith.index_cast %mul3A_17 : i32 to index
      %swap3A_18 = tpu.vector_load %arg5[%swap3A] {strides = array<i32>} : memref<10000xf32, #tpu.memory_space<vmem>>, vector<16xf32>,
      tpu.vector_store %arg5[%swap3A], %broadcast_in_dim3A_15 {strides = array<i32>} : memref<10000xf32, #tpu.memory_space<vmem>>, vector<16xf32>,
    }
    %scan3A_5 = arith.constant 625 : i32
    %broadcast_in_dim3A = arith.constant 1.000000e+00 : f32
    %broadcast_in_dim3A_6 = vector.broadcast %broadcast_in_dim3A : f32 to vector<16xf32>
    %scan3A_7 = arith.constant 0 : i32
    %scan3A_8 = arith.constant 0 : i32
    %scan3A_9 = arith.constant 625 : i32
    %scan3A_10 = arith.addi %scan3A_8, %scan3A_9 : i32
    %scan3A_11 = arith.constant 1 : i32
    scf.for %scan3A_13 = %scan3A_8 to %scan3A_10 step %scan3A_11  : i32 {
      %mul3A_14 = arith.constant 16 : i32
      %mul3A_15 = arith.muli %scan3A_13, %mul3A_14 : i32
      %get3A = arith.index_cast %mul3A_15 : i32 to index
      %get3A_16 = tpu.vector_load %arg4[%get3A] {strides = array<i32>} : memref<10000xi32, #tpu.memory_space<vmem>>, vector<16xi32>,
      tpu.vector_store_idx %arg5[%get3A_16], %broadcast_in_dim3A_6 {add = true} : memref<10000xf32, #tpu.memory_space<vmem>>[vector<16xi32>], vector<16xf32>,
    }
    %scan3A_12 = arith.constant 625 : i32
    "tpu.region"() ({
      %run_scoped3A = tpu.sem_alloc : memref<!tpu.dma_semaphore, #tpu.memory_space<semaphore_mem>>
      %dma_start3A = arith.constant 0 : i32
      %dma_start3A_13 = tpu.memref_slice %arg3[%add3A, %dma_start3A] : memref<32x10000xf32, #tpu.memory_space<hbm>> -> memref<1x10000xf32, #tpu.memory_space<hbm>>
      %dma_start3A_14 = tpu.memref_squeeze %dma_start3A_13 : memref<1x10000xf32, #tpu.memory_space<hbm>> -> memref<10000xf32, #tpu.memory_space<hbm>>
      %dma_start3A_15 = arith.constant 0 : i32
      %dma_start3A_16 = tpu.memref_slice %arg3[%add3A, %dma_start3A_15] : memref<32x10000xf32, #tpu.memory_space<hbm>> -> memref<1x10000xf32, #tpu.memory_space<hbm>>
      %dma_start3A_17 = tpu.memref_squeeze %dma_start3A_16 : memref<1x10000xf32, #tpu.memory_space<hbm>> -> memref<10000xf32, #tpu.memory_space<hbm>>
      tpu.enqueue_dma source(%arg5 : memref<10000xf32, #tpu.memory_space<vmem>>) target(%dma_start3A_17 : memref<10000xf32, #tpu.memory_space<hbm>>) target_semaphore(%run_scoped3A : memref<!tpu.dma_semaphore, #tpu.memory_space<semaphore_mem>>)
      %dma_wait3A = arith.constant 0 : i32
      %dma_wait3A_18 = tpu.memref_slice %arg3[%add3A, %dma_wait3A] : memref<32x10000xf32, #tpu.memory_space<hbm>> -> memref<1x10000xf32, #tpu.memory_space<hbm>>
      %dma_wait3A_19 = tpu.memref_squeeze %dma_wait3A_18 : memref<1x10000xf32, #tpu.memory_space<hbm>> -> memref<10000xf32, #tpu.memory_space<hbm>>
      %dma_wait3A_20 = arith.constant 0 : i32
      %dma_wait3A_21 = tpu.memref_slice %arg3[%add3A, %dma_wait3A_20] : memref<32x10000xf32, #tpu.memory_space<hbm>> -> memref<1x10000xf32, #tpu.memory_space<hbm>>
      %dma_wait3A_22 = tpu.memref_squeeze %dma_wait3A_21 : memref<1x10000xf32, #tpu.memory_space<hbm>> -> memref<10000xf32, #tpu.memory_space<hbm>>
      tpu.wait_dma2 semaphore(%run_scoped3A : memref<!tpu.dma_semaphore, #tpu.memory_space<semaphore_mem>>) src(%arg5 : memref<10000xf32, #tpu.memory_space<vmem>>) dst(%dma_wait3A_22 : memref<10000xf32, #tpu.memory_space<hbm>>)
      tpu.yield
    }) : () -> ()
    return
  }
}

module attributes {stable_mosaic.version = 14 : i64} {
  func.func @_dense_body(%arg0: i32, %arg1: memref<2x400x128xf32, #tpu.memory_space<vmem>>, %arg2: memref<1x32x400xf32, #tpu.memory_space<vmem>>, %arg3: memref<400x128xf32, #tpu.memory_space<vmem>>, %arg4: memref<128x128xf32, #tpu.memory_space<vmem>>, %arg5: memref<128x128xf32, #tpu.memory_space<vmem>>, %arg6: memref<1x128xf32, #tpu.memory_space<vmem>>, %arg7: memref<400x128xf32, #tpu.memory_space<vmem>>) attributes {dimension_semantics = [#tpu.dimension_semantics<arbitrary>], iteration_bounds = array<i64: 25>, scalar_prefetch = 0 : i64, scratch_operands = 0 : i64, tpu.core_type = #tpu.core_type<tc>, window_params = [{transform_indices = @transform_0, window_bounds = array<i64: 2, 400, 128>}, {transform_indices = @transform_1, window_bounds = array<i64: 1, 32, 400>}, {transform_indices = @transform_2, window_bounds = array<i64: 400, 128>}, {pipeline_mode = #tpu.pipeline_mode<synchronous>, transform_indices = @transform_3, window_bounds = array<i64: 128, 128>}, {pipeline_mode = #tpu.pipeline_mode<synchronous>, transform_indices = @transform_4, window_bounds = array<i64: 128, 128>}, {pipeline_mode = #tpu.pipeline_mode<synchronous>, transform_indices = @transform_5, window_bounds = array<i64: 1, 128>}, {transform_indices = @transform_6, window_bounds = array<i64: 400, 128>}]} {
    %get3A = arith.constant 0 : index
    %get3A_0 = arith.constant 0 : index
    %get3A_1 = arith.constant 0 : index
    %get3A_2 = vector.load %arg2[%get3A, %get3A_0, %get3A_1] : memref<1x32x400xf32, #tpu.memory_space<vmem>>, vector<1x32x400xf32>
    %get3A_3 = vector.shape_cast %get3A_2 : vector<1x32x400xf32> to vector<32x400xf32>
    %reduce_sum3A = arith.constant dense<0.000000e+00> : vector<400xf32>
    %reduce_sum3A_4 = vector.multi_reduction <add>, %get3A_3, %reduce_sum3A [0] : vector<32x400xf32> to vector<400xf32>
    %max3A = arith.constant 1.000000e+00 : f32
    %max3A_5 = vector.broadcast %max3A : f32 to vector<400xf32>
    %max3A_6 = arith.maximumf %reduce_sum3A_4, %max3A_5 : vector<400xf32>
    %get3A_7 = arith.constant 0 : index
    %get3A_8 = arith.constant 0 : index
    %get3A_9 = arith.constant 0 : index
    %get3A_10 = vector.load %arg1[%get3A_7, %get3A_8, %get3A_9] : memref<2x400x128xf32, #tpu.memory_space<vmem>>, vector<1x400x128xf32>
    %get3A_11 = vector.shape_cast %get3A_10 : vector<1x400x128xf32> to vector<400x128xf32>
    %get3A_12 = arith.constant 1 : index
    %get3A_13 = arith.constant 0 : index
    %get3A_14 = arith.constant 0 : index
    %get3A_15 = vector.load %arg1[%get3A_12, %get3A_13, %get3A_14] : memref<2x400x128xf32, #tpu.memory_space<vmem>>, vector<1x400x128xf32>
    %get3A_16 = vector.shape_cast %get3A_15 : vector<1x400x128xf32> to vector<400x128xf32>
    %add3A = arith.addf %get3A_11, %get3A_16 : vector<400x128xf32>
    %broadcast_in_dim3A = vector.shape_cast %max3A_6 : vector<400xf32> to vector<400x1xf32>
    %div3A = vector.broadcast %broadcast_in_dim3A : vector<400x1xf32> to vector<400x128xf32>
    %div3A_17 = arith.divf %add3A, %div3A : vector<400x128xf32>
    %get3A_18 = arith.constant 0 : index
    %get3A_19 = arith.constant 0 : index
    %get3A_20 = vector.load %arg4[%get3A_18, %get3A_19] : memref<128x128xf32, #tpu.memory_space<vmem>>, vector<128x128xf32>
    %dot_general3A = arith.constant dense<0.000000e+00> : vector<400x128xf32>
    %dot_general3A_21 = tpu.matmul %div3A_17, %get3A_20, %dot_general3A {dimension_numbers = #tpu.dot_dimension_numbers<[1], [0], [0], [1], [0, 0, 1, 1], [], []>, transpose_lhs_hint = false} : vector<400x128xf32>, vector<128x128xf32>, vector<400x128xf32> -> vector<400x128xf32>
    %get3A_22 = arith.constant 0 : index
    %get3A_23 = arith.constant 0 : index
    %get3A_24 = vector.load %arg6[%get3A_22, %get3A_23] : memref<1x128xf32, #tpu.memory_space<vmem>>, vector<1x128xf32>
    %add3A_25 = vector.broadcast %get3A_24 : vector<1x128xf32> to vector<400x128xf32>
    %add3A_26 = arith.addf %dot_general3A_21, %add3A_25 : vector<400x128xf32>
    %get3A_27 = arith.constant 0 : index
    %get3A_28 = arith.constant 0 : index
    %get3A_29 = vector.load %arg3[%get3A_27, %get3A_28] : memref<400x128xf32, #tpu.memory_space<vmem>>, vector<400x128xf32>
    %get3A_30 = arith.constant 0 : index
    %get3A_31 = arith.constant 0 : index
    %get3A_32 = vector.load %arg5[%get3A_30, %get3A_31] : memref<128x128xf32, #tpu.memory_space<vmem>>, vector<128x128xf32>
    %dot_general3A_33 = arith.constant dense<0.000000e+00> : vector<400x128xf32>
    %dot_general3A_34 = tpu.matmul %get3A_29, %get3A_32, %dot_general3A_33 {dimension_numbers = #tpu.dot_dimension_numbers<[1], [0], [0], [1], [0, 0, 1, 1], [], []>, transpose_lhs_hint = false} : vector<400x128xf32>, vector<128x128xf32>, vector<400x128xf32> -> vector<400x128xf32>
    %add3A_35 = arith.addf %add3A_26, %dot_general3A_34 : vector<400x128xf32>
    %max3A_36 = arith.constant 0.000000e+00 : f32
    %max3A_37 = vector.broadcast %max3A_36 : f32 to vector<400x128xf32>
    %max3A_38 = arith.maximumf %add3A_35, %max3A_37 : vector<400x128xf32>
    %swap3A = arith.constant 0 : index
    %swap3A_39 = arith.constant 0 : index
    %swap3A_40 = vector.load %arg7[%swap3A, %swap3A_39] : memref<400x128xf32, #tpu.memory_space<vmem>>, vector<400x128xf32>
    tpu.vector_store %arg7[%swap3A, %swap3A_39], %max3A_38 {strides = array<i32>} : memref<400x128xf32, #tpu.memory_space<vmem>>, vector<400x128xf32>,
    return
  }
  func.func @transform_0(%arg0: i32) -> (i32, i32, i32) {
    %c0_i32 = arith.constant 0 : i32
    %c0_i32_0 = arith.constant 0 : i32
    %c0_i32_1 = arith.constant 0 : i32
    return %c0_i32, %arg0, %c0_i32_0 : i32, i32, i32
  }
  func.func @transform_1(%arg0: i32) -> (i32, i32, i32) {
    %c0_i32 = arith.constant 0 : i32
    %c0_i32_0 = arith.constant 0 : i32
    %c0_i32_1 = arith.constant 0 : i32
    return %arg0, %c0_i32, %c0_i32_0 : i32, i32, i32
  }
  func.func @transform_2(%arg0: i32) -> (i32, i32) {
    %c0_i32 = arith.constant 0 : i32
    %c0_i32_0 = arith.constant 0 : i32
    return %arg0, %c0_i32 : i32, i32
  }
  func.func @transform_3(%arg0: i32) -> (i32, i32) {
    %c0_i32 = arith.constant 0 : i32
    %c0_i32_0 = arith.constant 0 : i32
    %c0_i32_1 = arith.constant 0 : i32
    return %c0_i32, %c0_i32_0 : i32, i32
  }
  func.func @transform_4(%arg0: i32) -> (i32, i32) {
    %c0_i32 = arith.constant 0 : i32
    %c0_i32_0 = arith.constant 0 : i32
    %c0_i32_1 = arith.constant 0 : i32
    return %c0_i32, %c0_i32_0 : i32, i32
  }
  func.func @transform_5(%arg0: i32) -> (i32, i32) {
    %c0_i32 = arith.constant 0 : i32
    %c0_i32_0 = arith.constant 0 : i32
    %c0_i32_1 = arith.constant 0 : i32
    return %c0_i32, %c0_i32_0 : i32, i32
  }
  func.func @transform_6(%arg0: i32) -> (i32, i32) {
    %c0_i32 = arith.constant 0 : i32
    %c0_i32_0 = arith.constant 0 : i32
    return %arg0, %c0_i32 : i32, i32
  }
}

module attributes {stable_mosaic.version = 14 : i64} {
  func.func @_dense_body(%arg0: i32, %arg1: memref<2x400x128xf32, #tpu.memory_space<vmem>>, %arg2: memref<1x32x400xf32, #tpu.memory_space<vmem>>, %arg3: memref<400x128xf32, #tpu.memory_space<vmem>>, %arg4: memref<128x128xf32, #tpu.memory_space<vmem>>, %arg5: memref<128x128xf32, #tpu.memory_space<vmem>>, %arg6: memref<1x128xf32, #tpu.memory_space<vmem>>, %arg7: memref<400x128xf32, #tpu.memory_space<vmem>>) attributes {dimension_semantics = [#tpu.dimension_semantics<arbitrary>], iteration_bounds = array<i64: 25>, scalar_prefetch = 0 : i64, scratch_operands = 0 : i64, tpu.core_type = #tpu.core_type<tc>, window_params = [{transform_indices = @transform_0, window_bounds = array<i64: 2, 400, 128>}, {transform_indices = @transform_1, window_bounds = array<i64: 1, 32, 400>}, {transform_indices = @transform_2, window_bounds = array<i64: 400, 128>}, {pipeline_mode = #tpu.pipeline_mode<synchronous>, transform_indices = @transform_3, window_bounds = array<i64: 128, 128>}, {pipeline_mode = #tpu.pipeline_mode<synchronous>, transform_indices = @transform_4, window_bounds = array<i64: 128, 128>}, {pipeline_mode = #tpu.pipeline_mode<synchronous>, transform_indices = @transform_5, window_bounds = array<i64: 1, 128>}, {transform_indices = @transform_6, window_bounds = array<i64: 400, 128>}]} {
    %get3A = arith.constant 0 : index
    %get3A_0 = arith.constant 0 : index
    %get3A_1 = arith.constant 0 : index
    %get3A_2 = vector.load %arg2[%get3A, %get3A_0, %get3A_1] : memref<1x32x400xf32, #tpu.memory_space<vmem>>, vector<1x32x400xf32>
    %get3A_3 = vector.shape_cast %get3A_2 : vector<1x32x400xf32> to vector<32x400xf32>
    %reduce_sum3A = arith.constant dense<0.000000e+00> : vector<400xf32>
    %reduce_sum3A_4 = vector.multi_reduction <add>, %get3A_3, %reduce_sum3A [0] : vector<32x400xf32> to vector<400xf32>
    %max3A = arith.constant 1.000000e+00 : f32
    %max3A_5 = vector.broadcast %max3A : f32 to vector<400xf32>
    %max3A_6 = arith.maximumf %reduce_sum3A_4, %max3A_5 : vector<400xf32>
    %get3A_7 = arith.constant 0 : index
    %get3A_8 = arith.constant 0 : index
    %get3A_9 = arith.constant 0 : index
    %get3A_10 = vector.load %arg1[%get3A_7, %get3A_8, %get3A_9] : memref<2x400x128xf32, #tpu.memory_space<vmem>>, vector<1x400x128xf32>
    %get3A_11 = vector.shape_cast %get3A_10 : vector<1x400x128xf32> to vector<400x128xf32>
    %get3A_12 = arith.constant 1 : index
    %get3A_13 = arith.constant 0 : index
    %get3A_14 = arith.constant 0 : index
    %get3A_15 = vector.load %arg1[%get3A_12, %get3A_13, %get3A_14] : memref<2x400x128xf32, #tpu.memory_space<vmem>>, vector<1x400x128xf32>
    %get3A_16 = vector.shape_cast %get3A_15 : vector<1x400x128xf32> to vector<400x128xf32>
    %add3A = arith.addf %get3A_11, %get3A_16 : vector<400x128xf32>
    %broadcast_in_dim3A = vector.shape_cast %max3A_6 : vector<400xf32> to vector<400x1xf32>
    %div3A = vector.broadcast %broadcast_in_dim3A : vector<400x1xf32> to vector<400x128xf32>
    %div3A_17 = arith.divf %add3A, %div3A : vector<400x128xf32>
    %get3A_18 = arith.constant 0 : index
    %get3A_19 = arith.constant 0 : index
    %get3A_20 = vector.load %arg4[%get3A_18, %get3A_19] : memref<128x128xf32, #tpu.memory_space<vmem>>, vector<128x128xf32>
    %dot_general3A = arith.constant dense<0.000000e+00> : vector<400x128xf32>
    %dot_general3A_21 = tpu.matmul %div3A_17, %get3A_20, %dot_general3A {dimension_numbers = #tpu.dot_dimension_numbers<[1], [0], [0], [1], [0, 0, 1, 1], [], []>, transpose_lhs_hint = false} : vector<400x128xf32>, vector<128x128xf32>, vector<400x128xf32> -> vector<400x128xf32>
    %get3A_22 = arith.constant 0 : index
    %get3A_23 = arith.constant 0 : index
    %get3A_24 = vector.load %arg6[%get3A_22, %get3A_23] : memref<1x128xf32, #tpu.memory_space<vmem>>, vector<1x128xf32>
    %add3A_25 = vector.broadcast %get3A_24 : vector<1x128xf32> to vector<400x128xf32>
    %add3A_26 = arith.addf %dot_general3A_21, %add3A_25 : vector<400x128xf32>
    %get3A_27 = arith.constant 0 : index
    %get3A_28 = arith.constant 0 : index
    %get3A_29 = vector.load %arg3[%get3A_27, %get3A_28] : memref<400x128xf32, #tpu.memory_space<vmem>>, vector<400x128xf32>
    %get3A_30 = arith.constant 0 : index
    %get3A_31 = arith.constant 0 : index
    %get3A_32 = vector.load %arg5[%get3A_30, %get3A_31] : memref<128x128xf32, #tpu.memory_space<vmem>>, vector<128x128xf32>
    %dot_general3A_33 = arith.constant dense<0.000000e+00> : vector<400x128xf32>
    %dot_general3A_34 = tpu.matmul %get3A_29, %get3A_32, %dot_general3A_33 {dimension_numbers = #tpu.dot_dimension_numbers<[1], [0], [0], [1], [0, 0, 1, 1], [], []>, transpose_lhs_hint = false} : vector<400x128xf32>, vector<128x128xf32>, vector<400x128xf32> -> vector<400x128xf32>
    %add3A_35 = arith.addf %add3A_26, %dot_general3A_34 : vector<400x128xf32>
    %reduce_max3A = arith.constant dense<0xFF800000> : vector<400xf32>
    %reduce_max3A_36 = vector.multi_reduction <maximumf>, %add3A_35, %reduce_max3A [1] : vector<400x128xf32> to vector<400xf32>
    %broadcast_in_dim3A_37 = vector.shape_cast %reduce_max3A_36 : vector<400xf32> to vector<400x1xf32>
    %sub3A = vector.broadcast %broadcast_in_dim3A_37 : vector<400x1xf32> to vector<400x128xf32>
    %sub3A_38 = arith.subf %add3A_35, %sub3A : vector<400x128xf32>
    %exp3A = math.exp %sub3A_38 : vector<400x128xf32>
    %reduce_sum3A_39 = arith.constant dense<0.000000e+00> : vector<400xf32>
    %reduce_sum3A_40 = vector.multi_reduction <add>, %exp3A, %reduce_sum3A_39 [1] : vector<400x128xf32> to vector<400xf32>
    %broadcast_in_dim3A_41 = vector.shape_cast %reduce_sum3A_40 : vector<400xf32> to vector<400x1xf32>
    %log3A = math.log %broadcast_in_dim3A_41 : vector<400x1xf32>
    %add3A_42 = arith.addf %log3A, %broadcast_in_dim3A_37 : vector<400x1xf32>
    %sub3A_43 = vector.broadcast %add3A_42 : vector<400x1xf32> to vector<400x128xf32>
    %sub3A_44 = arith.subf %add3A_35, %sub3A_43 : vector<400x128xf32>
    %swap3A = arith.constant 0 : index
    %swap3A_45 = arith.constant 0 : index
    %swap3A_46 = vector.load %arg7[%swap3A, %swap3A_45] : memref<400x128xf32, #tpu.memory_space<vmem>>, vector<400x128xf32>
    tpu.vector_store %arg7[%swap3A, %swap3A_45], %sub3A_44 {strides = array<i32>} : memref<400x128xf32, #tpu.memory_space<vmem>>, vector<400x128xf32>,
    return
  }
  func.func @transform_0(%arg0: i32) -> (i32, i32, i32) {
    %c0_i32 = arith.constant 0 : i32
    %c0_i32_0 = arith.constant 0 : i32
    %c0_i32_1 = arith.constant 0 : i32
    return %c0_i32, %arg0, %c0_i32_0 : i32, i32, i32
  }
  func.func @transform_1(%arg0: i32) -> (i32, i32, i32) {
    %c0_i32 = arith.constant 0 : i32
    %c0_i32_0 = arith.constant 0 : i32
    %c0_i32_1 = arith.constant 0 : i32
    return %arg0, %c0_i32, %c0_i32_0 : i32, i32, i32
  }
  func.func @transform_2(%arg0: i32) -> (i32, i32) {
    %c0_i32 = arith.constant 0 : i32
    %c0_i32_0 = arith.constant 0 : i32
    return %arg0, %c0_i32 : i32, i32
  }
  func.func @transform_3(%arg0: i32) -> (i32, i32) {
    %c0_i32 = arith.constant 0 : i32
    %c0_i32_0 = arith.constant 0 : i32
    %c0_i32_1 = arith.constant 0 : i32
    return %c0_i32, %c0_i32_0 : i32, i32
  }
  func.func @transform_4(%arg0: i32) -> (i32, i32) {
    %c0_i32 = arith.constant 0 : i32
    %c0_i32_0 = arith.constant 0 : i32
    %c0_i32_1 = arith.constant 0 : i32
    return %c0_i32, %c0_i32_0 : i32, i32
  }
  func.func @transform_5(%arg0: i32) -> (i32, i32) {
    %c0_i32 = arith.constant 0 : i32
    %c0_i32_0 = arith.constant 0 : i32
    %c0_i32_1 = arith.constant 0 : i32
    return %c0_i32, %c0_i32_0 : i32, i32
  }
  func.func @transform_6(%arg0: i32) -> (i32, i32) {
    %c0_i32 = arith.constant 0 : i32
    %c0_i32_0 = arith.constant 0 : i32
    return %arg0, %c0_i32 : i32, i32
  }
}

</mosaic_0001>

<sc_bundles>
// kernel: kernel.10.cloned.1.call-start
scs
__scs_entry_jumppad:
0x0: {  	(pc) =	sbr.rel $0x88, $3  }
0x1: {  	(tag) =	ssettag $0x0;
	lr =	simm.s32 $0x1  }
0x2: {  	[smem:$0x3F99] =	sst lr;
	_ =	strace $0xD0000000  }
0x3: {  	_ = 	snop  }
0x4: {  	_ = 	snop  }
0x5: {  	_ = 	snop  }
0x6: {  	_ = 	snop  }
0x7: {  	_ = 	snop  }
__scs_overlays_trampoline_lowered:
0x8: {  	[smem:$0x3FA8] =	sst s0  }
0x9: {  	[smem:$0x3FA9] =	sst s1  }
0xa: {  	[smem:$0x3FAA] =	sst s2  }
0xb: {  	[smem:$0x3FAB] =	sst s3  }
0xc: {  	[smem:$0x3FAC] =	sst s4  }
0xd: {  	[smem:$0x3FAD] =	sst s5  }
0xe: {  	[smem:$0x3FAE] =	sst s6  }
0xf: {  	[smem:$0x3FAF] =	sst s7  }
0x10: {  	[smem:$0x3FB0] =	sst s8  }
0x11: {  	[smem:$0x3FB1] =	sst s9;
	s0 =	simm.s32 @!p0 $0x0  }
0x12: {  	s1 =	sld [smem:$0x3F97];
	s0 =	simm.s32 @p0 $0x1  }
0x13: {  	[smem:$0x3FB2] =	sst s0;
	s0 =	simm.s32 @!p1 $0x0  }
0x14: {  	s2 =	sld [smem:$0x3F96];
	s0 =	simm.s32 @p1 $0x1  }
0x15: {  	[smem:$0x3FB3] =	sst s0;
	s0 =	simm.s32 @!p2 $0x0  }
0x16: {  	s3 =	sld [smem:$0x3FDB];
	s0 =	simm.s32 @p2 $0x1  }
0x17: {  	s4 =	simm.s32 $0x1BF5;
	[smem:$0x3FB5] =	sst s0  }
0x18: {  	s0 =	sld [smem:$0x3F98];
	_ =	swait.ge [sflag:s4], $0x0  }
0x19: {  	s7 =	sld [smem:$0x3F99]  }
0x1a: {  	s8 =	sadd.s32 $0xFFFFE003, lr  }
0x1b: {  	s9 =	sadd.s32 $0xFFFFFEF7, lr;
	s5 =	simm.s32 $0xFFFFFFFF;
	p2 =	slt.u32 s8, $0xFFFFF086  }
0x1c: {  	p1 =	slt.u32 s9, $0xF7A;
	s5 =	simm.s32 @!p2 $0x0  }
0x1d: {  	s5 =	simm.s32 @p1 $0x1;
	p0 =	seq.s32 s7, s2  }
0x1e: {  	s7 =	smul.u32 @!p0 $0xF7A, s2;
	p2 =	seq.s32 @!p0 s5, $0x0  }
0x1f: {  	s9 =	smul.u32 $0xF7A, s1;
	s8 =	simm.s32 @!p0 $0x1BF5;
	p2 =	por !p2, p0  }
0x20: {  	[sflag:s8] =	ssyncset.s32 @!p0 $0xFFFFF086;
	s6 =	sadd.s32 @!p0 s3, s7;
	s7 =	simm.s32 @!p0 $0x108  }
0x21: {  	s3 =	sadd.s32 s3, s9;
	s6 =	sadd.s32 @!p0 $0x88, s6;
	s7 =	simm.s32 @p2 $0x1082  }
0x22: {  	[simem:s7], [sflag:s8] =	dma.local @!p0 [hbm:s6], $0xF7A  }
0x23: {  	s9 =	sor.u32 $0xD0000000, s2;
	s6 =	simm.s32 $0x108;
	_ =	swait.ge @!p0 [sflag:s8], $0x0  }
0x24: {  	s3 =	sadd.s32 $0x88, s3;
	s6 =	simm.s32 @!p1 $0x1082;
	[sflag:s4] =	ssyncset.s32 $0xFFFFF086  }
0x25: {  	[simem:s6], [sflag:s4] =	dma.local [hbm:s3], $0xF7A  }
0x26: {  	[smem:$0x3F99] =	sst s1;
	(tag) =	ssettag s2;
	_ =	strace s9  }
0x27: {  	s1 =	sld [smem:$0x3FA9]  }
0x28: {  	s2 =	sld [smem:$0x3FAA]  }
0x29: {  	s4 =	sld [smem:$0x3FAC]  }
0x2a: {  	p0 =	seq.s32 s5, $0x0;
	s5 =	sld [smem:$0x3FAD]  }
0x2b: {  	s6 =	sld [smem:$0x3FAE]  }
0x2c: {  	s7 =	sld [smem:$0x3FAF]  }
0x2d: {  	s3 =	simm.s32 $0x108;
	s8 =	sld [smem:$0x3FB0]  }
0x2e: {  	s3 =	simm.s32 @!p0 $0x1082;
	s9 =	sld [smem:$0x3FB1]  }
0x2f: {  	lr =	sadd.s32 s0, s3;
	s0 =	sld [smem:$0x3FA8]  }
0x30: {  	s3 =	sld [smem:$0x3FAB]  }
0x31: {  	[smem:$0x3FB4] =	sst s10  }
0x32: {  	s10 =	sld [smem:$0x3FB2];
	_ =	sdelay $0x3  }
0x33: {  	p0 =	seq.s32 s10, $0x1;
	s10 =	sld [smem:$0x3FB4];
	_ =	sdelay $0x3  }
0x34: {  	[smem:$0x3FB4] =	sst s10  }
0x35: {  	s10 =	sld [smem:$0x3FB3];
	_ =	sdelay $0x3  }
0x36: {  	p1 =	seq.s32 s10, $0x1;
	s10 =	sld [smem:$0x3FB4];
	_ =	sdelay $0x3  }
0x37: {  	[smem:$0x3FB4] =	sst s10  }
0x38: {  	s10 =	sld [smem:$0x3FB5]  }
0x39: {  	_ = 	snop;
	(pc) =	sbr.ind lr, $3  }
0x3a: {  	_ = 	snop  }
0x3b: {  	_ = 	snop  }
0x3c: {  	p2 =	seq.s32 s10, $0x1;
	s10 =	sld [smem:$0x3FB4]  }
0x3d: {  	_ =	shalt  }
0x3e: {  	_ =	shalt  }
0x3f: {  	_ =	shalt  }
0x40: {  	_ =	shalt  }
0x41: {  	_ =	shalt  }
0x42: {  	_ =	shalt  }
0x43: {  	_ =	shalt  }
0x44: {  	_ =	shalt  }
0x45: {  	_ =	shalt  }
0x46: {  	_ =	shalt  }
0x47: {  	_ =	shalt  }
0x48: {  	_ =	shalt  }
0x49: {  	_ =	shalt  }
0x4a: {  	_ =	shalt  }
0x4b: {  	_ =	shalt  }
0x4c: {  	_ =	shalt  }
0x4d: {  	_ =	shalt  }
0x4e: {  	_ =	shalt  }
0x4f: {  	_ =	shalt  }
0x50: {  	_ =	shalt  }
0x51: {  	_ =	shalt  }
0x52: {  	_ =	shalt  }
0x53: {  	_ =	shalt  }
0x54: {  	_ =	shalt  }
0x55: {  	_ =	shalt  }
0x56: {  	_ =	shalt  }
0x57: {  	_ =	shalt  }
0x58: {  	_ =	shalt  }
0x59: {  	_ =	shalt  }
0x5a: {  	_ =	shalt  }
0x5b: {  	_ =	shalt  }
0x5c: {  	_ =	shalt  }
0x5d: {  	_ =	shalt  }
0x5e: {  	_ =	shalt  }
0x5f: {  	_ =	shalt  }
0x60: {  	_ =	shalt  }
0x61: {  	_ =	shalt  }
0x62: {  	_ =	shalt  }
0x63: {  	_ =	shalt  }
0x64: {  	_ =	shalt  }
0x65: {  	_ =	shalt  }
0x66: {  	_ =	shalt  }
0x67: {  	_ =	shalt  }
0x68: {  	_ =	shalt  }
0x69: {  	_ =	shalt  }
0x6a: {  	_ =	shalt  }
0x6b: {  	_ =	shalt  }
0x6c: {  	_ =	shalt  }
0x6d: {  	_ =	shalt  }
0x6e: {  	_ =	shalt  }
0x6f: {  	_ =	shalt  }
0x70: {  	_ =	shalt  }
0x71: {  	_ =	shalt  }
0x72: {  	_ =	shalt  }
0x73: {  	_ =	shalt  }
0x74: {  	_ =	shalt  }
0x75: {  	_ =	shalt  }
0x76: {  	_ =	shalt  }
0x77: {  	_ =	shalt  }
0x78: {  	_ =	shalt  }
0x79: {  	_ =	shalt  }
0x7a: {  	_ =	shalt  }
0x7b: {  	_ =	shalt  }
0x7c: {  	_ =	shalt  }
0x7d: {  	_ =	shalt  }
0x7e: {  	_ =	shalt  }
0x7f: {  	_ =	shalt  }
0x80: {  	_ =	shalt  }
0x81: {  	_ =	shalt  }
0x82: {  	_ =	shalt  }
0x83: {  	_ =	shalt  }
0x84: {  	_ =	shalt  }
0x85: {  	_ =	shalt  }
0x86: {  	_ =	shalt  }
0x87: {  	_ =	shalt  }
.Lfunc_end0:
.L_simem_size_0:
called_computation.1_lowered:
.L_overlay_start_0:
0x88: {  	s2 =	sld [smem:$0x3FD9]  }
0x89: {  	s3 =	sld [smem:$0x3FFE];
	_ =	sdelay $0x1  }
0x8a: {  	s1 =	srdreg.scid  }
0x8b: {  	s0 =	sand.u32 $0x1, s1  }
0x8c: {  	s17 =	sshll.u32 s0, $0xA;
	s2 =	sadd.s32 s3, s2  }
0x8d: {  	s2 =	sadd.s32 s2, s17  }
0x8e: {  	[smem:$0x3FC0] =	sst s2  }
0x8f: {  	_ = 	snop  }
0x90: {  	s18 =	sld [smem:$0x3FC9];
	(tm) =	ssettm $0x1  }
0x91: {  	s19 =	sld [smem:$0x3FFB];
	_ =	sdelay $0x3  }
0x92: {  	_ =	strace s19  }
0x93: {  	s2 =	sld [smem:$0x3FFC];
	_ =	sdelay $0x3  }
0x94: {  	_ =	strace s2  }
0x95: {  	s2 =	sld [smem:$0x3FFD];
	_ =	sdelay $0x3  }
0x96: {  	_ =	strace s2  }
0x97: {  	_ =	strace $0x8FFFFFFF  }
0x98: {  	s20 =	sld [smem:$0x3FDB];
	_ =	sdelay $0x1  }
0x99: {  	s4 =	simm.s32 $_scs_section_size  }
0x9a: {  	s5 =	simm.s32 $_size__tile_overlayer_lowered;
	s6 =	simm.s32 $_tile_overlayer_lowered  }
0x9b: {  	s7 =	simm.s32 $0x1BFF;
	s21 =	sshll.u32 s6, $0x1;
	s4 =	sadd.s32 s4, s20  }
0x9c: {  	s22 =	simm.s32 $0x0;
	s5 =	sshll.u32 s5, $0x1;
	s6 =	sadd.s32 s21, s4  }
0x9d: {  	[timem:s22], [sflag:s7] =	dma.local [hbm:s6], s5  }
0x9e: {  	_ =	swait.ge [sflag:s7], s5  }
0x9f: {  	s5 =	ssub.s32 $0x0, s5;
	[sflag:s7] =	ssyncset.done $0x0  }
0xa0: {  	[sflag:s7] =	ssyncadd.s32 s5;
	_ =	sdelay $0x1  }
0xa1: {  	s23 =	simm.s32 $0x1B8B  }
0xa2: {  	_ =	swait.ge [sflag:s23], $0x1  }
0xa3: {  	[sflag:s23] =	ssyncset.done $0x0  }
0xa4: {  	[sflag:s23] =	ssyncadd.s32 $0xFFFFFFFF  }
0xa5: {  	s5 =	sld [smem:$0x0]  }
0xa6: {  	s6 =	sand.u32 $0xFFFFFFFE, s1  }
0xa7: {  	p0 =	sne.s32 s1, s6  }
0xa8: {  	s6 =	sshll.u32 @p0 s6, $0xE  }
0xa9: {  	s6 =	sadd.s32 @p0 $0x11B8D, s6;
	s7 =	sshll.u32 @p0 s5, $0x11  }
0xaa: {  	s6 =	sor.u32 @p0 s7, s6  }
0xab: {  	[sflag:s6] =	ssyncadd.remote.s32 @p0 $0x1;
	_ =	sdelay $0x1  }
0xac: {  	s6 =	simm.s32 @p0 $0x1B8D  }
0xad: {  	_ =	swait.eq @p0 [sflag:s6], $0x1  }
0xae: {  	[sflag:s6] =	ssyncadd.s32 @p0 $0xFFFFFFFF  }
0xaf: {  	s7 =	sshll.u32 @!p0 s1, $0xE  }
0xb0: {  	s7 =	sor.u32 @!p0 $0x4000, s7;
	s6 =	simm.s32 @!p0 $0x1B8D  }
0xb1: {  	s5 =	sshll.u32 @!p0 s5, $0x11;
	s7 =	sadd.s32 @!p0 $0x11B8D, s7;
	_ =	swait.eq @!p0 [sflag:s6], $0x1  }
0xb2: {  	s5 =	sor.u32 @!p0 s5, s7;
	[sflag:s6] =	ssyncadd.s32 @!p0 $0xFFFFFFFF  }
0xb3: {  	s25 =	simm.s32 $0x1B8E;
	s24 =	sld [smem:$0x3FFE];
	[sflag:s5] =	ssyncadd.remote.s32 @!p0 $0x1  }
0xb4: {  	s26 =	simm.s32 $execute0_lowered;
	[smem:$0x3FD2] =	sst s25  }
0xb5: {  	s6 =	sshll.u32 s26, $0x1;
	_ =	strace $0x80000049;
	[dreg:$0x1] =	wrdreg $0xFFFFFFFF  }
0xb6: {  	s28 =	simm.s32 $_size_execute0_lowered;
	s4 =	sadd.s32 s4, s6;
	[dreg:$0x0] =	wrdreg $0x0  }
0xb7: {  	s6 =	sshll.u32 s28, $0x1;
	[dreg:$0x2] =	wrdreg s4  }
0xb8: {  	[dreg:$0x3] =	wrdreg s6  }
0xb9: {  	[dreg:$0x4] =	wrdreg $0xC0  }
0xba: {  	_ =	task [dreg:s22], $0x5FFFF  }
0xbb: {  	[dreg:$0x1] =	wrdreg $0xFFFFFFFF  }
0xbc: {  	[dreg:$0x0] =	wrdreg $0x60  }
0xbd: {  	[dreg:$0x2] =	wrdreg s18  }
0xbe: {  	[dreg:$0x3] =	wrdreg s24  }
0xbf: {  	[dreg:$0x4] =	wrdreg $0xA8000  }
0xc0: {  	[dreg:$0x5] =	wrdreg $0xA  }
0xc1: {  	_ =	task.clear_ibuf [dreg:s22], $0x6FFFF;
	_ =	strace $0x90000049  }
0xc2: {  	s29 =	simm.s32 $0xA;
	_ =	strace $0x8000004B  }
0xc3: {  	_ =	swait.ge [sflag:s29], $0x1  }
0xc4: {  	[sflag:s29] =	ssyncadd.s32 $0xFFFFFFFF  }
0xc5: {  	_ =	strace $0x9000004B  }
0xc6: {  	_ =	sfence  }
0xc7: {  	s30 =	sld [smem:$0x0];
	_ =	sdelay $0x2  }
0xc8: {  	s31 =	sshll.u32 s1, $0xD;
	s1 =	sshrl.u32 s1, $0x2  }
0xc9: {  	s4 =	sand.u32 $0x4000, s31;
	s1 =	sadd.s32 s1, s30  }
0xca: {  	s0 =	sor.u32 s4, s0;
	s1 =	sshll.u32 s1, $0x11  }
0xcb: {  	s0 =	sor.u32 s1, s0  }
0xcc: {  	s0 =	sadd.s32 $0x8F2B, s0  }
0xcd: {  	[sflag:s0] =	ssyncadd.remote.s32 $0x1  }
0xce: {  	_ =	sfence.sel $0xFFFF  }
0xcf: {  	[dreg:$0x0] =	wrdreg $0xFFFFFFFF;
	(pc) =	sbr.abs _section_cstart, $3  }
0xd0: {  	[dreg:$0x1] =	wrdreg $0xFFFFFFFF  }
0xd1: {  	_ =	task.clear_ibuf [dreg:s22], $0x2FFFF;
	_ =	strace $0x9FFFFFFF  }
0xd2: {  	(tm) =	ssettm $0x7FFFFFFF  }
0xd3: {  	_ =	shalt  }
tec
execute0_lowered:
.L_overlay_start_1:
0x0: {  	(tag) =	ssettag $0x1  }
0x1: {  	s1 =	rddreg [dreg:$0x0]  }
0x2: {  	s6 =	rddreg [dreg:$0x1]  }
0x3: {  	s2 =	rddreg [dreg:$0x2]  }
0x4: {  	s0 =	rddreg [dreg:$0x3];
	s4 =	simm.s32 $0x0;
	s3 =	srdreg.scid  }
0x5: {  	s13 =	simm.s32 $0x4000;
	s14 =	simm.s32 $0x50;
	s15 =	simm.s32 $0x8000  }
0x6: {  	s16 =	simm.s32 $0x1;
	[smem:$0x7FF] =	sst s4;
	s7 =	sand.u32 $0x1, s3  }
0x7: {  	s17 =	simm.s32 $0x0;
	s3 =	stileid.u32;
	s5 =	smul.u32 $0x140000, s7  }
0x8: {  	s8 =	sshll.u32 s7, $0xF;
	s9 =	sshll.u32 s3, $0xB;
	s10 =	smul.u32 $0x14000, s3  }
0x9: {  	_ =	strace $0x8000004A;
	s29 =	smul.u32 $0x50000, s3;
	s7 =	ssub.s32 $0x2, s7  }
0xa: {  	s31 =	sshll.u32 s3, $0x6;
	s8 =	sor.u32 s9, s8;
	s30 =	sshrl.u32 s7, $0x1  }
0xb: {  	s8 =	sadd.s32 s8, s6;
	s28 =	sadd.s32 s10, s5;
	s5 =	sadd.s32 $0x2BE00, s6  }
0xc: {  	s10 =	sshrl.u32 s29, $0x2;
	s11 =	ssub.s32 s7, s30;
	s9 =	sshrl.u32 s28, $0x3  }
0xd: {  	s12 =	sadd.s32 s10, s2;
	s7 =	sadd.s32 $0x1BE00, s8;
	s8 =	sadd.s32 $0xBE00, s8  }
0xe: {  	s10 =	smax.u32 s11, $0x1;
	s9 =	sadd.s32 s9, s6;
	s6 =	sor.u32 $0x1C02, s31  }
0xf: {  	s11 =	sshrl.u32 s12, $0x3;
	s12 =	simm.s32 $0x2;
	s9 =	sadd.s32 $0x2E600, s9  }
.LBB2_1:
0x10: {  	[spmem:s11], [sflag:s6] =	dma.local [hbm:s5], $0x2800  }
0x11: {  	_ =	swait.ge [sflag:s12], $0x2800  }
0x12: {  	[sflag:s12] =	ssyncset.done $0x0  }
0x13: {  	[sflag:s12] =	ssyncadd.s32 $0xFFFFD800  }
0x14: {  	[tilespmem:s4], [sflag:$0x2] =	stream.linear.gather [hbm4b:s7+s4], $0x3E80, $0x38;
	[tilespmem:$0x1E800] =	vst v63  }
0x15: {  	_ =	swait.ge [sflag:s12], $0x3E80  }
0x16: {  	[sflag:s12] =	ssyncset.done $0x0  }
0x17: {  	[sflag:s12] =	ssyncadd.s32 $0xFFFFC180  }
0x18: {  	[tilespmem:s13], [sflag:$0x2] =	stream.linear.gather [hbm4b:s8+s4], $0x3E80, $0x38;
	[tilespmem:$0x1E800] =	vst v63  }
0x19: {  	_ =	swait.ge [sflag:s12], $0x3E80  }
0x1a: {  	[sflag:s12] =	ssyncset.done $0x0  }
0x1b: {  	[sflag:s12] =	ssyncadd.s32 $0xFFFFC180  }
0x1c: {  	s18 =	simm.s32 $0x0;
	[bflag:$0x0] =	sbarrier.arrive $0xFFFF  }
0x1d: {  	[tilespmem:s15], [sflag:$0x1] =	stream.indirect.gather [hbm4b:s1+s14], $0x80, s18, s14, $0xb8;
	[tilespmem:$0x1E800] =	vst v63  }
0x1e: {  	_ =	swait.ge [sflag:s16], $0x2800  }
0x1f: {  	[sflag:s16] =	ssyncset.done $0x0  }
0x20: {  	s31 =	simm.s32 $0x4000;
	[sflag:s16] =	ssyncadd.s32 $0xFFFFD800  }
0x21: {  	[spmem:s2] =	stream.indirect.scatter.add.f32 [tilespmem:s15], [sflag:$0x2], $0x80, s31, s14, $0xb8;
	[tilespmem:$0x1E800] =	vst v63  }
0x22: {  	_ =	swait.ge [sflag:s12], $0x2800  }
0x23: {  	s19 =	simm.s32 $0x400;
	s18 =	simm.s32 $0x200;
	[sflag:s12] =	ssyncset.done $0x0  }
.LBB2_2:
0x24: {  	s20 =	sshra.s32 s18, $0x2  }
0x25: {  	[sflag:s12] =	ssyncadd.s32 $0xFFFFD800;
	s18 =	smov.u32 s19;
	s21 =	sadd.s32 $0x200, s19  }
0x26: {  	[tilespmem:s15], [sflag:$0x1] =	stream.indirect.gather [hbm4b:s1+s14], $0x80, s20, s14, $0xb8;
	[tilespmem:$0x1E800] =	vst v63  }
0x27: {  	p0 =	sne.s32 s19, $0xF800;
	_ =	swait.ge [sflag:s16], $0x2800  }
.Ltmp0:
0x28: {  	[sflag:s16] =	ssyncset.done $0x0;
	(pc) =	sbr.rel @p0 .LBB2_2-.Ltmp0, $4  }
0x29: {  	s19 =	sadd.s32 $0x4000, s20;
	[sflag:s16] =	ssyncadd.s32 $0xFFFFD800  }
0x2a: {  	[spmem:s2] =	stream.indirect.scatter.add.f32 [tilespmem:s15], [sflag:$0x2], $0x80, s19, s14, $0xb8;
	[tilespmem:$0x1E800] =	vst v63  }
0x2b: {  	_ =	swait.ge [sflag:s12], $0x2800  }
0x2c: {  	s19 =	smov.u32 s21;
	[sflag:s12] =	ssyncset.done $0x0  }
0x2d: {  	s18 =	sshra.s32 s18, $0x2;
	[sflag:s12] =	ssyncadd.s32 $0xFFFFD800  }
0x2e: {  	[tilespmem:s15], [sflag:$0x1] =	stream.indirect.gather [hbm4b:s1+s14], $0x80, s18, s14, $0xb8;
	[tilespmem:$0x1E800] =	vst v63  }
0x2f: {  	_ =	swait.ge [sflag:s16], $0x2800  }
0x30: {  	[sflag:s16] =	ssyncset.done $0x0  }
0x31: {  	s18 =	sadd.s32 $0x4000, s18;
	[sflag:s16] =	ssyncadd.s32 $0xFFFFD800  }
0x32: {  	[spmem:s2] =	stream.indirect.scatter.add.f32 [tilespmem:s15], [sflag:$0x2], $0x80, s18, s14, $0xb8;
	[tilespmem:$0x1E800] =	vst v63  }
0x33: {  	_ =	swait.ge [sflag:s12], $0x2800  }
0x34: {  	s17 =	sadd.s32 $0x1, s17;
	[sflag:s12] =	ssyncset.done $0x0  }
0x35: {  	p0 =	sne.s32 s17, s10;
	[sflag:s12] =	ssyncadd.s32 $0xFFFFD800  }
.Ltmp1:
0x36: {  	[bflag:$0x0] =	sbarrier.arrive $0xFFFF;
	(pc) =	sbr.rel @p0 .LBB2_1-.Ltmp1, $4  }
0x37: {  	[hbm:s9], [sflag:s6] =	dma.local [spmem:s11], $0x2800  }
0x38: {  	_ =	swait.ge [sflag:s12], $0x2800  }
0x39: {  	[sflag:s12] =	ssyncset.done $0x0  }
0x3a: {  	[sflag:s12] =	ssyncadd.s32 $0xFFFFD800  }
0x3b: {  	_ =	sfence.sel $0x180000  }
0x3c: {  	[bflag:$0x0] =	sbarrier.arrive $0xFFFF  }
0x3d: {  	p0 =	sne.s32 s3, $0x0;
	_ =	strace $0x9000004A  }
0x3e: {  	s0 =	sadd.s32 @!p0 $0x100000, s0;
	[bflag:$0x2] =	sbarrier.arrive $0xFFFF  }
0x3f: {  	[sflag:s0] =	ssyncadd.tile.s32 @!p0 $0x1;
	_ =	shalt  }
.Lfunc_end2:
_tile_overlayer_lowered:
.L_overlay_start_2:
0x40: {  	(tag) =	ssettag $0x2  }
0x41: {  	s0 =	rddreg [dreg:$0x0];
	s2 =	stileid.u32  }
0x42: {  	s1 =	rddreg [dreg:$0x1];
	p0 =	sne.s32 s2, $0x0  }
0x43: {  	s3 =	rddreg [dreg:$0x2];
	[bflag:$0x3] =	sbarrier.arrive $0xFFFF;
	s2 =	simm.s32 @!p0 $0x1C02  }
0x44: {  	[timem:s3], [sflag:s2] =	dma.local @!p0 [hbm:s0], s1  }
0x45: {  	s0 =	simm.s32 @!p0 $0x2  }
0x46: {  	_ =	swait.ge @!p0 [sflag:s0], s1  }
0x47: {  	s1 =	ssub.s32 @!p0 $0x0, s1;
	[sflag:s0] =	ssyncset.done @!p0 $0x0  }
0x48: {  	[sflag:s0] =	ssyncadd.s32 @!p0 s1  }
0x49: {  	[bflag:$0x3] =	sbarrier.arrive $0xFFFF  }
0x4a: {  	_ =	shalt  }

// kernel: kernel.13.cloned.1.call-start
scs
__scs_entry_jumppad:
0x0: {  	(pc) =	sbr.rel $0x88, $3  }
0x1: {  	(tag) =	ssettag $0x0;
	lr =	simm.s32 $0x1  }
0x2: {  	[smem:$0x3F99] =	sst lr;
	_ =	strace $0xD0000000  }
0x3: {  	_ = 	snop  }
0x4: {  	_ = 	snop  }
0x5: {  	_ = 	snop  }
0x6: {  	_ = 	snop  }
0x7: {  	_ = 	snop  }
__scs_overlays_trampoline_lowered:
0x8: {  	[smem:$0x3FA8] =	sst s0  }
0x9: {  	[smem:$0x3FA9] =	sst s1  }
0xa: {  	[smem:$0x3FAA] =	sst s2  }
0xb: {  	[smem:$0x3FAB] =	sst s3  }
0xc: {  	[smem:$0x3FAC] =	sst s4  }
0xd: {  	[smem:$0x3FAD] =	sst s5  }
0xe: {  	[smem:$0x3FAE] =	sst s6  }
0xf: {  	[smem:$0x3FAF] =	sst s7  }
0x10: {  	[smem:$0x3FB0] =	sst s8  }
0x11: {  	[smem:$0x3FB1] =	sst s9;
	s0 =	simm.s32 @!p0 $0x0  }
0x12: {  	s1 =	sld [smem:$0x3F97];
	s0 =	simm.s32 @p0 $0x1  }
0x13: {  	[smem:$0x3FB2] =	sst s0;
	s0 =	simm.s32 @!p1 $0x0  }
0x14: {  	s2 =	sld [smem:$0x3F96];
	s0 =	simm.s32 @p1 $0x1  }
0x15: {  	[smem:$0x3FB3] =	sst s0;
	s0 =	simm.s32 @!p2 $0x0  }
0x16: {  	s3 =	sld [smem:$0x3FDB];
	s0 =	simm.s32 @p2 $0x1  }
0x17: {  	s4 =	simm.s32 $0x1BF5;
	[smem:$0x3FB5] =	sst s0  }
0x18: {  	s0 =	sld [smem:$0x3F98];
	_ =	swait.ge [sflag:s4], $0x0  }
0x19: {  	s7 =	sld [smem:$0x3F99]  }
0x1a: {  	s8 =	sadd.s32 $0xFFFFE003, lr  }
0x1b: {  	s9 =	sadd.s32 $0xFFFFFEF7, lr;
	s5 =	simm.s32 $0xFFFFFFFF;
	p2 =	slt.u32 s8, $0xFFFFF086  }
0x1c: {  	p1 =	slt.u32 s9, $0xF7A;
	s5 =	simm.s32 @!p2 $0x0  }
0x1d: {  	s5 =	simm.s32 @p1 $0x1;
	p0 =	seq.s32 s7, s2  }
0x1e: {  	s7 =	smul.u32 @!p0 $0xF7A, s2;
	p2 =	seq.s32 @!p0 s5, $0x0  }
0x1f: {  	s9 =	smul.u32 $0xF7A, s1;
	s8 =	simm.s32 @!p0 $0x1BF5;
	p2 =	por !p2, p0  }
0x20: {  	[sflag:s8] =	ssyncset.s32 @!p0 $0xFFFFF086;
	s6 =	sadd.s32 @!p0 s3, s7;
	s7 =	simm.s32 @!p0 $0x108  }
0x21: {  	s3 =	sadd.s32 s3, s9;
	s6 =	sadd.s32 @!p0 $0x88, s6;
	s7 =	simm.s32 @p2 $0x1082  }
0x22: {  	[simem:s7], [sflag:s8] =	dma.local @!p0 [hbm:s6], $0xF7A  }
0x23: {  	s9 =	sor.u32 $0xD0000000, s2;
	s6 =	simm.s32 $0x108;
	_ =	swait.ge @!p0 [sflag:s8], $0x0  }
0x24: {  	s3 =	sadd.s32 $0x88, s3;
	s6 =	simm.s32 @!p1 $0x1082;
	[sflag:s4] =	ssyncset.s32 $0xFFFFF086  }
0x25: {  	[simem:s6], [sflag:s4] =	dma.local [hbm:s3], $0xF7A  }
0x26: {  	[smem:$0x3F99] =	sst s1;
	(tag) =	ssettag s2;
	_ =	strace s9  }
0x27: {  	s1 =	sld [smem:$0x3FA9]  }
0x28: {  	s2 =	sld [smem:$0x3FAA]  }
0x29: {  	s4 =	sld [smem:$0x3FAC]  }
0x2a: {  	p0 =	seq.s32 s5, $0x0;
	s5 =	sld [smem:$0x3FAD]  }
0x2b: {  	s6 =	sld [smem:$0x3FAE]  }
0x2c: {  	s7 =	sld [smem:$0x3FAF]  }
0x2d: {  	s3 =	simm.s32 $0x108;
	s8 =	sld [smem:$0x3FB0]  }
0x2e: {  	s3 =	simm.s32 @!p0 $0x1082;
	s9 =	sld [smem:$0x3FB1]  }
0x2f: {  	lr =	sadd.s32 s0, s3;
	s0 =	sld [smem:$0x3FA8]  }
0x30: {  	s3 =	sld [smem:$0x3FAB]  }
0x31: {  	[smem:$0x3FB4] =	sst s10  }
0x32: {  	s10 =	sld [smem:$0x3FB2];
	_ =	sdelay $0x3  }
0x33: {  	p0 =	seq.s32 s10, $0x1;
	s10 =	sld [smem:$0x3FB4];
	_ =	sdelay $0x3  }
0x34: {  	[smem:$0x3FB4] =	sst s10  }
0x35: {  	s10 =	sld [smem:$0x3FB3];
	_ =	sdelay $0x3  }
0x36: {  	p1 =	seq.s32 s10, $0x1;
	s10 =	sld [smem:$0x3FB4];
	_ =	sdelay $0x3  }
0x37: {  	[smem:$0x3FB4] =	sst s10  }
0x38: {  	s10 =	sld [smem:$0x3FB5]  }
0x39: {  	_ = 	snop;
	(pc) =	sbr.ind lr, $3  }
0x3a: {  	_ = 	snop  }
0x3b: {  	_ = 	snop  }
0x3c: {  	p2 =	seq.s32 s10, $0x1;
	s10 =	sld [smem:$0x3FB4]  }
0x3d: {  	_ =	shalt  }
0x3e: {  	_ =	shalt  }
0x3f: {  	_ =	shalt  }
0x40: {  	_ =	shalt  }
0x41: {  	_ =	shalt  }
0x42: {  	_ =	shalt  }
0x43: {  	_ =	shalt  }
0x44: {  	_ =	shalt  }
0x45: {  	_ =	shalt  }
0x46: {  	_ =	shalt  }
0x47: {  	_ =	shalt  }
0x48: {  	_ =	shalt  }
0x49: {  	_ =	shalt  }
0x4a: {  	_ =	shalt  }
0x4b: {  	_ =	shalt  }
0x4c: {  	_ =	shalt  }
0x4d: {  	_ =	shalt  }
0x4e: {  	_ =	shalt  }
0x4f: {  	_ =	shalt  }
0x50: {  	_ =	shalt  }
0x51: {  	_ =	shalt  }
0x52: {  	_ =	shalt  }
0x53: {  	_ =	shalt  }
0x54: {  	_ =	shalt  }
0x55: {  	_ =	shalt  }
0x56: {  	_ =	shalt  }
0x57: {  	_ =	shalt  }
0x58: {  	_ =	shalt  }
0x59: {  	_ =	shalt  }
0x5a: {  	_ =	shalt  }
0x5b: {  	_ =	shalt  }
0x5c: {  	_ =	shalt  }
0x5d: {  	_ =	shalt  }
0x5e: {  	_ =	shalt  }
0x5f: {  	_ =	shalt  }
0x60: {  	_ =	shalt  }
0x61: {  	_ =	shalt  }
0x62: {  	_ =	shalt  }
0x63: {  	_ =	shalt  }
0x64: {  	_ =	shalt  }
0x65: {  	_ =	shalt  }
0x66: {  	_ =	shalt  }
0x67: {  	_ =	shalt  }
0x68: {  	_ =	shalt  }
0x69: {  	_ =	shalt  }
0x6a: {  	_ =	shalt  }
0x6b: {  	_ =	shalt  }
0x6c: {  	_ =	shalt  }
0x6d: {  	_ =	shalt  }
0x6e: {  	_ =	shalt  }
0x6f: {  	_ =	shalt  }
0x70: {  	_ =	shalt  }
0x71: {  	_ =	shalt  }
0x72: {  	_ =	shalt  }
0x73: {  	_ =	shalt  }
0x74: {  	_ =	shalt  }
0x75: {  	_ =	shalt  }
0x76: {  	_ =	shalt  }
0x77: {  	_ =	shalt  }
0x78: {  	_ =	shalt  }
0x79: {  	_ =	shalt  }
0x7a: {  	_ =	shalt  }
0x7b: {  	_ =	shalt  }
0x7c: {  	_ =	shalt  }
0x7d: {  	_ =	shalt  }
0x7e: {  	_ =	shalt  }
0x7f: {  	_ =	shalt  }
0x80: {  	_ =	shalt  }
0x81: {  	_ =	shalt  }
0x82: {  	_ =	shalt  }
0x83: {  	_ =	shalt  }
0x84: {  	_ =	shalt  }
0x85: {  	_ =	shalt  }
0x86: {  	_ =	shalt  }
0x87: {  	_ =	shalt  }
.Lfunc_end0:
.L_simem_size_0:
called_computation.2_lowered:
.L_overlay_start_0:
0x88: {  	s2 =	sld [smem:$0x3FD9]  }
0x89: {  	s3 =	sld [smem:$0x3FFE];
	_ =	sdelay $0x1  }
0x8a: {  	s1 =	srdreg.scid  }
0x8b: {  	s0 =	sand.u32 $0x1, s1  }
0x8c: {  	s17 =	sshll.u32 s0, $0xA;
	s2 =	sadd.s32 s3, s2  }
0x8d: {  	s2 =	sadd.s32 s2, s17  }
0x8e: {  	[smem:$0x3FC0] =	sst s2  }
0x8f: {  	_ = 	snop  }
0x90: {  	s2 =	sld [smem:$0x3FD0];
	(tm) =	ssettm $0x1  }
0x91: {  	s18 =	sld [smem:$0x3FFB];
	_ =	sdelay $0x3  }
0x92: {  	_ =	strace s18  }
0x93: {  	s3 =	sld [smem:$0x3FFC];
	_ =	sdelay $0x3  }
0x94: {  	_ =	strace s3  }
0x95: {  	s3 =	sld [smem:$0x3FFD];
	_ =	sdelay $0x3  }
0x96: {  	_ =	strace s3  }
0x97: {  	_ =	strace $0x8FFFFFFF  }
0x98: {  	s19 =	sld [smem:$0x3FDB];
	_ =	sdelay $0x1  }
0x99: {  	s4 =	simm.s32 $_scs_section_size  }
0x9a: {  	s5 =	simm.s32 $_size__tile_overlayer_lowered;
	s6 =	simm.s32 $_tile_overlayer_lowered  }
0x9b: {  	s22 =	simm.s32 $0x1BFF;
	s21 =	sshll.u32 s6, $0x1;
	s3 =	sadd.s32 s4, s19  }
0x9c: {  	s7 =	simm.s32 $0x0;
	s20 =	sshll.u32 s5, $0x1;
	s5 =	sadd.s32 s21, s3  }
0x9d: {  	[timem:s7], [sflag:s22] =	dma.local [hbm:s5], s20  }
0x9e: {  	_ =	swait.ge [sflag:s22], s20  }
0x9f: {  	s4 =	ssub.s32 $0x0, s20;
	[sflag:s22] =	ssyncset.done $0x0  }
0xa0: {  	[sflag:s22] =	ssyncadd.s32 s4;
	_ =	sdelay $0x1  }
0xa1: {  	s23 =	simm.s32 $0x1B8B  }
0xa2: {  	_ =	swait.ge [sflag:s23], $0x1  }
0xa3: {  	[sflag:s23] =	ssyncset.done $0x0  }
0xa4: {  	s25 =	simm.s32 $0x1B8E;
	s24 =	sld [smem:$0x3FFE];
	[sflag:s23] =	ssyncadd.s32 $0xFFFFFFFF  }
0xa5: {  	s26 =	simm.s32 $execute0_lowered;
	[smem:$0x3FD2] =	sst s25  }
0xa6: {  	s5 =	sshll.u32 s26, $0x1;
	_ =	strace $0x8000004C;
	[dreg:$0x1] =	wrdreg $0xFFFFFFFF  }
0xa7: {  	s28 =	simm.s32 $_size_execute0_lowered;
	s3 =	sadd.s32 s3, s5;
	[dreg:$0x0] =	wrdreg $0x0  }
0xa8: {  	s5 =	sshll.u32 s28, $0x1;
	[dreg:$0x2] =	wrdreg s3  }
0xa9: {  	[dreg:$0x3] =	wrdreg s5  }
0xaa: {  	[dreg:$0x4] =	wrdreg $0xC0  }
0xab: {  	_ =	task [dreg:s7], $0x5FFFF  }
0xac: {  	[dreg:$0x1] =	wrdreg $0xFFFFFFFF  }
0xad: {  	[dreg:$0x0] =	wrdreg $0x60  }
0xae: {  	[dreg:$0x2] =	wrdreg s2  }
0xaf: {  	[dreg:$0x3] =	wrdreg s24  }
0xb0: {  	[dreg:$0x4] =	wrdreg $0xA8000  }
0xb1: {  	[dreg:$0x5] =	wrdreg $0x9  }
0xb2: {  	_ =	task.clear_ibuf [dreg:s7], $0x6FFFF;
	_ =	strace $0x9000004C  }
0xb3: {  	s29 =	simm.s32 $0x9;
	_ =	strace $0x8000004E  }
0xb4: {  	_ =	swait.ge [sflag:s29], $0x1  }
0xb5: {  	[sflag:s29] =	ssyncadd.s32 $0xFFFFFFFF  }
0xb6: {  	_ =	strace $0x9000004E  }
0xb7: {  	_ =	sfence  }
0xb8: {  	s30 =	sld [smem:$0x0];
	_ =	sdelay $0x2  }
0xb9: {  	s31 =	sshll.u32 s1, $0xD;
	s1 =	sshrl.u32 s1, $0x2  }
0xba: {  	s3 =	sand.u32 $0x4000, s31;
	s1 =	sadd.s32 s1, s30  }
0xbb: {  	s0 =	sor.u32 s3, s0;
	s1 =	sshll.u32 s1, $0x11  }
0xbc: {  	s0 =	sor.u32 s1, s0  }
0xbd: {  	s0 =	sadd.s32 $0x8F2B, s0  }
0xbe: {  	[sflag:s0] =	ssyncadd.remote.s32 $0x1  }
0xbf: {  	_ =	sfence.sel $0xFFFF  }
0xc0: {  	[dreg:$0x0] =	wrdreg $0xFFFFFFFF;
	(pc) =	sbr.abs _section_cstart, $3  }
0xc1: {  	[dreg:$0x1] =	wrdreg $0xFFFFFFFF  }
0xc2: {  	_ =	task.clear_ibuf [dreg:s7], $0x2FFFF;
	_ =	strace $0x9FFFFFFF  }
0xc3: {  	(tm) =	ssettm $0x7FFFFFFF  }
tec
execute0_lowered:
.L_overlay_start_1:
0x0: {  	(tag) =	ssettag $0x1  }
0x1: {  	s1 =	rddreg [dreg:$0x0]  }
0x2: {  	s6 =	rddreg [dreg:$0x1]  }
0x3: {  	s2 =	rddreg [dreg:$0x2]  }
0x4: {  	s0 =	rddreg [dreg:$0x3];
	s4 =	simm.s32 $0x0;
	s3 =	srdreg.scid  }
0x5: {  	s13 =	simm.s32 $0x4000;
	s14 =	simm.s32 $0x50;
	s15 =	simm.s32 $0x8000  }
0x6: {  	s16 =	simm.s32 $0x1;
	[smem:$0x7FF] =	sst s4;
	s7 =	sand.u32 $0x1, s3  }
0x7: {  	s17 =	simm.s32 $0x0;
	s3 =	stileid.u32;
	s5 =	smul.u32 $0x140000, s7  }
0x8: {  	s8 =	sshll.u32 s7, $0xF;
	s9 =	sshll.u32 s3, $0xB;
	s10 =	smul.u32 $0x14000, s3  }
0x9: {  	_ =	strace $0x8000004D;
	s29 =	smul.u32 $0x50000, s3;
	s7 =	ssub.s32 $0x2, s7  }
0xa: {  	s31 =	sshll.u32 s3, $0x6;
	s8 =	sor.u32 s9, s8;
	s30 =	sshrl.u32 s7, $0x1  }
0xb: {  	s8 =	sadd.s32 s8, s6;
	s28 =	sadd.s32 s10, s5;
	s5 =	sadd.s32 $0x2BE00, s6  }
0xc: {  	s10 =	sshrl.u32 s29, $0x2;
	s11 =	ssub.s32 s7, s30;
	s9 =	sshrl.u32 s28, $0x3  }
0xd: {  	s12 =	sadd.s32 s10, s2;
	s7 =	sadd.s32 $0x1BE00, s8;
	s8 =	sadd.s32 $0xBE00, s8  }
0xe: {  	s10 =	smax.u32 s11, $0x1;
	s9 =	sadd.s32 s9, s6;
	s6 =	sor.u32 $0x1C02, s31  }
0xf: {  	s11 =	sshrl.u32 s12, $0x3;
	s12 =	simm.s32 $0x2;
	s9 =	sadd.s32 $0x2E600, s9  }
.LBB2_1:
0x10: {  	[spmem:s11], [sflag:s6] =	dma.local [hbm:s5], $0x2800  }
0x11: {  	_ =	swait.ge [sflag:s12], $0x2800  }
0x12: {  	[sflag:s12] =	ssyncset.done $0x0  }
0x13: {  	[sflag:s12] =	ssyncadd.s32 $0xFFFFD800  }
0x14: {  	[tilespmem:s4], [sflag:$0x2] =	stream.linear.gather [hbm4b:s7+s4], $0x3E80, $0x38;
	[tilespmem:$0x1E800] =	vst v63  }
0x15: {  	_ =	swait.ge [sflag:s12], $0x3E80  }
0x16: {  	[sflag:s12] =	ssyncset.done $0x0  }
0x17: {  	[sflag:s12] =	ssyncadd.s32 $0xFFFFC180  }
0x18: {  	[tilespmem:s13], [sflag:$0x2] =	stream.linear.gather [hbm4b:s8+s4], $0x3E80, $0x38;
	[tilespmem:$0x1E800] =	vst v63  }
0x19: {  	_ =	swait.ge [sflag:s12], $0x3E80  }
0x1a: {  	[sflag:s12] =	ssyncset.done $0x0  }
0x1b: {  	[sflag:s12] =	ssyncadd.s32 $0xFFFFC180  }
0x1c: {  	s18 =	simm.s32 $0x0;
	[bflag:$0x0] =	sbarrier.arrive $0xFFFF  }
0x1d: {  	[tilespmem:s15], [sflag:$0x1] =	stream.indirect.gather [hbm4b:s1+s14], $0x80, s18, s14, $0xb8;
	[tilespmem:$0x1E800] =	vst v63  }
0x1e: {  	_ =	swait.ge [sflag:s16], $0x2800  }
0x1f: {  	[sflag:s16] =	ssyncset.done $0x0  }
0x20: {  	s31 =	simm.s32 $0x4000;
	[sflag:s16] =	ssyncadd.s32 $0xFFFFD800  }
0x21: {  	[spmem:s2] =	stream.indirect.scatter.add.f32 [tilespmem:s15], [sflag:$0x2], $0x80, s31, s14, $0xb8;
	[tilespmem:$0x1E800] =	vst v63  }
0x22: {  	_ =	swait.ge [sflag:s12], $0x2800  }
0x23: {  	s19 =	simm.s32 $0x400;
	s18 =	simm.s32 $0x200;
	[sflag:s12] =	ssyncset.done $0x0  }
.LBB2_2:
0x24: {  	s20 =	sshra.s32 s18, $0x2  }
0x25: {  	[sflag:s12] =	ssyncadd.s32 $0xFFFFD800;
	s18 =	smov.u32 s19;
	s21 =	sadd.s32 $0x200, s19  }
0x26: {  	[tilespmem:s15], [sflag:$0x1] =	stream.indirect.gather [hbm4b:s1+s14], $0x80, s20, s14, $0xb8;
	[tilespmem:$0x1E800] =	vst v63  }
0x27: {  	p0 =	sne.s32 s19, $0xF800;
	_ =	swait.ge [sflag:s16], $0x2800  }
.Ltmp0:
0x28: {  	[sflag:s16] =	ssyncset.done $0x0;
	(pc) =	sbr.rel @p0 .LBB2_2-.Ltmp0, $4  }
0x29: {  	s19 =	sadd.s32 $0x4000, s20;
	[sflag:s16] =	ssyncadd.s32 $0xFFFFD800  }
0x2a: {  	[spmem:s2] =	stream.indirect.scatter.add.f32 [tilespmem:s15], [sflag:$0x2], $0x80, s19, s14, $0xb8;
	[tilespmem:$0x1E800] =	vst v63  }
0x2b: {  	_ =	swait.ge [sflag:s12], $0x2800  }
0x2c: {  	s19 =	smov.u32 s21;
	[sflag:s12] =	ssyncset.done $0x0  }
0x2d: {  	s18 =	sshra.s32 s18, $0x2;
	[sflag:s12] =	ssyncadd.s32 $0xFFFFD800  }
0x2e: {  	[tilespmem:s15], [sflag:$0x1] =	stream.indirect.gather [hbm4b:s1+s14], $0x80, s18, s14, $0xb8;
	[tilespmem:$0x1E800] =	vst v63  }
0x2f: {  	_ =	swait.ge [sflag:s16], $0x2800  }
0x30: {  	[sflag:s16] =	ssyncset.done $0x0  }
0x31: {  	s18 =	sadd.s32 $0x4000, s18;
	[sflag:s16] =	ssyncadd.s32 $0xFFFFD800  }
0x32: {  	[spmem:s2] =	stream.indirect.scatter.add.f32 [tilespmem:s15], [sflag:$0x2], $0x80, s18, s14, $0xb8;
	[tilespmem:$0x1E800] =	vst v63  }
0x33: {  	_ =	swait.ge [sflag:s12], $0x2800  }
0x34: {  	s17 =	sadd.s32 $0x1, s17;
	[sflag:s12] =	ssyncset.done $0x0  }
0x35: {  	p0 =	sne.s32 s17, s10;
	[sflag:s12] =	ssyncadd.s32 $0xFFFFD800  }
.Ltmp1:
0x36: {  	[bflag:$0x0] =	sbarrier.arrive $0xFFFF;
	(pc) =	sbr.rel @p0 .LBB2_1-.Ltmp1, $4  }
0x37: {  	[hbm:s9], [sflag:s6] =	dma.local [spmem:s11], $0x2800  }
0x38: {  	_ =	swait.ge [sflag:s12], $0x2800  }
0x39: {  	[sflag:s12] =	ssyncset.done $0x0  }
0x3a: {  	[sflag:s12] =	ssyncadd.s32 $0xFFFFD800  }
0x3b: {  	_ =	sfence.sel $0x180000  }
0x3c: {  	[bflag:$0x0] =	sbarrier.arrive $0xFFFF  }
0x3d: {  	p0 =	sne.s32 s3, $0x0;
	_ =	strace $0x9000004D  }
0x3e: {  	s0 =	sadd.s32 @!p0 $0x100000, s0;
	[bflag:$0x2] =	sbarrier.arrive $0xFFFF  }
0x3f: {  	[sflag:s0] =	ssyncadd.tile.s32 @!p0 $0x1;
	_ =	shalt  }
.Lfunc_end2:
_tile_overlayer_lowered:
.L_overlay_start_2:
0x40: {  	(tag) =	ssettag $0x2  }
0x41: {  	s0 =	rddreg [dreg:$0x0];
	s2 =	stileid.u32  }
0x42: {  	s1 =	rddreg [dreg:$0x1];
	p0 =	sne.s32 s2, $0x0  }
0x43: {  	s3 =	rddreg [dreg:$0x2];
	[bflag:$0x3] =	sbarrier.arrive $0xFFFF;
	s2 =	simm.s32 @!p0 $0x1C02  }
0x44: {  	[timem:s3], [sflag:s2] =	dma.local @!p0 [hbm:s0], s1  }
0x45: {  	s0 =	simm.s32 @!p0 $0x2  }
0x46: {  	_ =	swait.ge @!p0 [sflag:s0], s1  }
0x47: {  	s1 =	ssub.s32 @!p0 $0x0, s1;
	[sflag:s0] =	ssyncset.done @!p0 $0x0  }
0x48: {  	[sflag:s0] =	ssyncadd.s32 @!p0 s1  }
0x49: {  	[bflag:$0x3] =	sbarrier.arrive $0xFFFF  }
0x4a: {  	_ =	shalt  }

// kernel: kernel.7.cloned.1.call-start
scs
__scs_entry_jumppad:
0x0: {  	(pc) =	sbr.rel $0x88, $3  }
0x1: {  	(tag) =	ssettag $0x0;
	lr =	simm.s32 $0x1  }
0x2: {  	[smem:$0x3F99] =	sst lr;
	_ =	strace $0xD0000000  }
0x3: {  	_ = 	snop  }
0x4: {  	_ = 	snop  }
0x5: {  	_ = 	snop  }
0x6: {  	_ = 	snop  }
0x7: {  	_ = 	snop  }
__scs_overlays_trampoline_lowered:
0x8: {  	[smem:$0x3FA8] =	sst s0  }
0x9: {  	[smem:$0x3FA9] =	sst s1  }
0xa: {  	[smem:$0x3FAA] =	sst s2  }
0xb: {  	[smem:$0x3FAB] =	sst s3  }
0xc: {  	[smem:$0x3FAC] =	sst s4  }
0xd: {  	[smem:$0x3FAD] =	sst s5  }
0xe: {  	[smem:$0x3FAE] =	sst s6  }
0xf: {  	[smem:$0x3FAF] =	sst s7  }
0x10: {  	[smem:$0x3FB0] =	sst s8  }
0x11: {  	[smem:$0x3FB1] =	sst s9;
	s0 =	simm.s32 @!p0 $0x0  }
0x12: {  	s1 =	sld [smem:$0x3F97];
	s0 =	simm.s32 @p0 $0x1  }
0x13: {  	[smem:$0x3FB2] =	sst s0;
	s0 =	simm.s32 @!p1 $0x0  }
0x14: {  	s2 =	sld [smem:$0x3F96];
	s0 =	simm.s32 @p1 $0x1  }
0x15: {  	[smem:$0x3FB3] =	sst s0;
	s0 =	simm.s32 @!p2 $0x0  }
0x16: {  	s3 =	sld [smem:$0x3FDB];
	s0 =	simm.s32 @p2 $0x1  }
0x17: {  	s4 =	simm.s32 $0x1BF5;
	[smem:$0x3FB5] =	sst s0  }
0x18: {  	s0 =	sld [smem:$0x3F98];
	_ =	swait.ge [sflag:s4], $0x0  }
0x19: {  	s7 =	sld [smem:$0x3F99]  }
0x1a: {  	s8 =	sadd.s32 $0xFFFFE003, lr  }
0x1b: {  	s9 =	sadd.s32 $0xFFFFFEF7, lr;
	s5 =	simm.s32 $0xFFFFFFFF;
	p2 =	slt.u32 s8, $0xFFFFF086  }
0x1c: {  	p1 =	slt.u32 s9, $0xF7A;
	s5 =	simm.s32 @!p2 $0x0  }
0x1d: {  	s5 =	simm.s32 @p1 $0x1;
	p0 =	seq.s32 s7, s2  }
0x1e: {  	s7 =	smul.u32 @!p0 $0xF7A, s2;
	p2 =	seq.s32 @!p0 s5, $0x0  }
0x1f: {  	s9 =	smul.u32 $0xF7A, s1;
	s8 =	simm.s32 @!p0 $0x1BF5;
	p2 =	por !p2, p0  }
0x20: {  	[sflag:s8] =	ssyncset.s32 @!p0 $0xFFFFF086;
	s6 =	sadd.s32 @!p0 s3, s7;
	s7 =	simm.s32 @!p0 $0x108  }
0x21: {  	s3 =	sadd.s32 s3, s9;
	s6 =	sadd.s32 @!p0 $0x88, s6;
	s7 =	simm.s32 @p2 $0x1082  }
0x22: {  	[simem:s7], [sflag:s8] =	dma.local @!p0 [hbm:s6], $0xF7A  }
0x23: {  	s9 =	sor.u32 $0xD0000000, s2;
	s6 =	simm.s32 $0x108;
	_ =	swait.ge @!p0 [sflag:s8], $0x0  }
0x24: {  	s3 =	sadd.s32 $0x88, s3;
	s6 =	simm.s32 @!p1 $0x1082;
	[sflag:s4] =	ssyncset.s32 $0xFFFFF086  }
0x25: {  	[simem:s6], [sflag:s4] =	dma.local [hbm:s3], $0xF7A  }
0x26: {  	[smem:$0x3F99] =	sst s1;
	(tag) =	ssettag s2;
	_ =	strace s9  }
0x27: {  	s1 =	sld [smem:$0x3FA9]  }
0x28: {  	s2 =	sld [smem:$0x3FAA]  }
0x29: {  	s4 =	sld [smem:$0x3FAC]  }
0x2a: {  	p0 =	seq.s32 s5, $0x0;
	s5 =	sld [smem:$0x3FAD]  }
0x2b: {  	s6 =	sld [smem:$0x3FAE]  }
0x2c: {  	s7 =	sld [smem:$0x3FAF]  }
0x2d: {  	s3 =	simm.s32 $0x108;
	s8 =	sld [smem:$0x3FB0]  }
0x2e: {  	s3 =	simm.s32 @!p0 $0x1082;
	s9 =	sld [smem:$0x3FB1]  }
0x2f: {  	lr =	sadd.s32 s0, s3;
	s0 =	sld [smem:$0x3FA8]  }
0x30: {  	s3 =	sld [smem:$0x3FAB]  }
0x31: {  	[smem:$0x3FB4] =	sst s10  }
0x32: {  	s10 =	sld [smem:$0x3FB2];
	_ =	sdelay $0x3  }
0x33: {  	p0 =	seq.s32 s10, $0x1;
	s10 =	sld [smem:$0x3FB4];
	_ =	sdelay $0x3  }
0x34: {  	[smem:$0x3FB4] =	sst s10  }
0x35: {  	s10 =	sld [smem:$0x3FB3];
	_ =	sdelay $0x3  }
0x36: {  	p1 =	seq.s32 s10, $0x1;
	s10 =	sld [smem:$0x3FB4];
	_ =	sdelay $0x3  }
0x37: {  	[smem:$0x3FB4] =	sst s10  }
0x38: {  	s10 =	sld [smem:$0x3FB5]  }
0x39: {  	_ = 	snop;
	(pc) =	sbr.ind lr, $3  }
0x3a: {  	_ = 	snop  }
0x3b: {  	_ = 	snop  }
0x3c: {  	p2 =	seq.s32 s10, $0x1;
	s10 =	sld [smem:$0x3FB4]  }
0x3d: {  	_ =	shalt  }
0x3e: {  	_ =	shalt  }
0x3f: {  	_ =	shalt  }
0x40: {  	_ =	shalt  }
0x41: {  	_ =	shalt  }
0x42: {  	_ =	shalt  }
0x43: {  	_ =	shalt  }
0x44: {  	_ =	shalt  }
0x45: {  	_ =	shalt  }
0x46: {  	_ =	shalt  }
0x47: {  	_ =	shalt  }
0x48: {  	_ =	shalt  }
0x49: {  	_ =	shalt  }
0x4a: {  	_ =	shalt  }
0x4b: {  	_ =	shalt  }
0x4c: {  	_ =	shalt  }
0x4d: {  	_ =	shalt  }
0x4e: {  	_ =	shalt  }
0x4f: {  	_ =	shalt  }
0x50: {  	_ =	shalt  }
0x51: {  	_ =	shalt  }
0x52: {  	_ =	shalt  }
0x53: {  	_ =	shalt  }
0x54: {  	_ =	shalt  }
0x55: {  	_ =	shalt  }
0x56: {  	_ =	shalt  }
0x57: {  	_ =	shalt  }
0x58: {  	_ =	shalt  }
0x59: {  	_ =	shalt  }
0x5a: {  	_ =	shalt  }
0x5b: {  	_ =	shalt  }
0x5c: {  	_ =	shalt  }
0x5d: {  	_ =	shalt  }
0x5e: {  	_ =	shalt  }
0x5f: {  	_ =	shalt  }
0x60: {  	_ =	shalt  }
0x61: {  	_ =	shalt  }
0x62: {  	_ =	shalt  }
0x63: {  	_ =	shalt  }
0x64: {  	_ =	shalt  }
0x65: {  	_ =	shalt  }
0x66: {  	_ =	shalt  }
0x67: {  	_ =	shalt  }
0x68: {  	_ =	shalt  }
0x69: {  	_ =	shalt  }
0x6a: {  	_ =	shalt  }
0x6b: {  	_ =	shalt  }
0x6c: {  	_ =	shalt  }
0x6d: {  	_ =	shalt  }
0x6e: {  	_ =	shalt  }
0x6f: {  	_ =	shalt  }
0x70: {  	_ =	shalt  }
0x71: {  	_ =	shalt  }
0x72: {  	_ =	shalt  }
0x73: {  	_ =	shalt  }
0x74: {  	_ =	shalt  }
0x75: {  	_ =	shalt  }
0x76: {  	_ =	shalt  }
0x77: {  	_ =	shalt  }
0x78: {  	_ =	shalt  }
0x79: {  	_ =	shalt  }
0x7a: {  	_ =	shalt  }
0x7b: {  	_ =	shalt  }
0x7c: {  	_ =	shalt  }
0x7d: {  	_ =	shalt  }
0x7e: {  	_ =	shalt  }
0x7f: {  	_ =	shalt  }
0x80: {  	_ =	shalt  }
0x81: {  	_ =	shalt  }
0x82: {  	_ =	shalt  }
0x83: {  	_ =	shalt  }
0x84: {  	_ =	shalt  }
0x85: {  	_ =	shalt  }
0x86: {  	_ =	shalt  }
0x87: {  	_ =	shalt  }
.Lfunc_end0:
.L_simem_size_0:
called_computation_lowered:
.L_overlay_start_0:
0x88: {  	s2 =	sld [smem:$0x3FD9]  }
0x89: {  	s3 =	sld [smem:$0x3FFE];
	_ =	sdelay $0x1  }
0x8a: {  	s1 =	srdreg.scid  }
0x8b: {  	s0 =	sand.u32 $0x1, s1  }
0x8c: {  	s17 =	sshll.u32 s0, $0xA;
	s2 =	sadd.s32 s3, s2  }
0x8d: {  	s2 =	sadd.s32 s2, s17  }
0x8e: {  	[smem:$0x3FC0] =	sst s2  }
0x8f: {  	_ = 	snop  }
0x90: {  	s2 =	sld [smem:$0x3FD0];
	(tm) =	ssettm $0x1  }
0x91: {  	s18 =	sld [smem:$0x3FFB];
	_ =	sdelay $0x3  }
0x92: {  	_ =	strace s18  }
0x93: {  	s3 =	sld [smem:$0x3FFC];
	_ =	sdelay $0x3  }
0x94: {  	_ =	strace s3  }
0x95: {  	s3 =	sld [smem:$0x3FFD];
	_ =	sdelay $0x3  }
0x96: {  	_ =	strace s3  }
0x97: {  	_ =	strace $0x8FFFFFFF  }
0x98: {  	s19 =	sld [smem:$0x3FDB];
	_ =	sdelay $0x1  }
0x99: {  	s4 =	simm.s32 $_scs_section_size  }
0x9a: {  	s5 =	simm.s32 $_size__tile_overlayer_lowered;
	s6 =	simm.s32 $_tile_overlayer_lowered  }
0x9b: {  	s22 =	simm.s32 $0x1BFF;
	s21 =	sshll.u32 s6, $0x1;
	s3 =	sadd.s32 s4, s19  }
0x9c: {  	s7 =	simm.s32 $0x0;
	s20 =	sshll.u32 s5, $0x1;
	s5 =	sadd.s32 s21, s3  }
0x9d: {  	[timem:s7], [sflag:s22] =	dma.local [hbm:s5], s20  }
0x9e: {  	_ =	swait.ge [sflag:s22], s20  }
0x9f: {  	s4 =	ssub.s32 $0x0, s20;
	[sflag:s22] =	ssyncset.done $0x0  }
0xa0: {  	[sflag:s22] =	ssyncadd.s32 s4;
	_ =	sdelay $0x1  }
0xa1: {  	s23 =	simm.s32 $0x1B8B  }
0xa2: {  	_ =	swait.ge [sflag:s23], $0x1  }
0xa3: {  	[sflag:s23] =	ssyncset.done $0x0  }
0xa4: {  	s25 =	simm.s32 $0x1B8E;
	s24 =	sld [smem:$0x3FFE];
	[sflag:s23] =	ssyncadd.s32 $0xFFFFFFFF  }
0xa5: {  	s26 =	simm.s32 $execute0_lowered;
	[smem:$0x3FD2] =	sst s25  }
0xa6: {  	s5 =	sshll.u32 s26, $0x1;
	_ =	strace $0x80000046;
	[dreg:$0x1] =	wrdreg $0xFFFFFFFF  }
0xa7: {  	s28 =	simm.s32 $_size_execute0_lowered;
	s3 =	sadd.s32 s3, s5;
	[dreg:$0x0] =	wrdreg $0x0  }
0xa8: {  	s5 =	sshll.u32 s28, $0x1;
	[dreg:$0x2] =	wrdreg s3  }
0xa9: {  	[dreg:$0x3] =	wrdreg s5  }
0xaa: {  	[dreg:$0x4] =	wrdreg $0xC0  }
0xab: {  	_ =	task [dreg:s7], $0x5FFFF  }
0xac: {  	[dreg:$0x1] =	wrdreg $0xFFFFFFFF  }
0xad: {  	[dreg:$0x0] =	wrdreg $0x60  }
0xae: {  	[dreg:$0x2] =	wrdreg s2  }
0xaf: {  	[dreg:$0x3] =	wrdreg s24  }
0xb0: {  	[dreg:$0x4] =	wrdreg $0x9  }
0xb1: {  	_ =	task.clear_ibuf [dreg:s7], $0x5FFFF;
	_ =	strace $0x90000046  }
0xb2: {  	s29 =	simm.s32 $0x9;
	_ =	strace $0x80000048  }
0xb3: {  	_ =	swait.ge [sflag:s29], $0x1  }
0xb4: {  	[sflag:s29] =	ssyncadd.s32 $0xFFFFFFFF  }
0xb5: {  	_ =	strace $0x90000048  }
0xb6: {  	_ =	sfence  }
0xb7: {  	s30 =	sld [smem:$0x0];
	_ =	sdelay $0x2  }
0xb8: {  	s31 =	sshll.u32 s1, $0xD;
	s1 =	sshrl.u32 s1, $0x2  }
0xb9: {  	s3 =	sand.u32 $0x4000, s31;
	s1 =	sadd.s32 s1, s30  }
0xba: {  	s0 =	sor.u32 s3, s0;
	s1 =	sshll.u32 s1, $0x11  }
0xbb: {  	s0 =	sor.u32 s1, s0  }
0xbc: {  	s0 =	sadd.s32 $0x8F2B, s0  }
0xbd: {  	[sflag:s0] =	ssyncadd.remote.s32 $0x1  }
0xbe: {  	_ =	sfence.sel $0xFFFF  }
0xbf: {  	[dreg:$0x0] =	wrdreg $0xFFFFFFFF;
	(pc) =	sbr.abs _section_cstart, $3  }
0xc0: {  	[dreg:$0x1] =	wrdreg $0xFFFFFFFF  }
0xc1: {  	_ =	task.clear_ibuf [dreg:s7], $0x2FFFF;
	_ =	strace $0x9FFFFFFF  }
0xc2: {  	(tm) =	ssettm $0x7FFFFFFF  }
0xc3: {  	_ =	shalt  }
tec
execute0_lowered:
.L_overlay_start_1:
0x0: {  	(tag) =	ssettag $0x1  }
0x1: {  	s0 =	srdreg.scid  }
0x2: {  	s3 =	sand.u32 $0x1, s0  }
0x3: {  	s4 =	rddreg [dreg:$0x0];
	s0 =	stileid.u32;
	s1 =	sshll.u32 s3, $0x4  }
0x4: {  	s6 =	rddreg [dreg:$0x1];
	s2 =	simm.s32 $0x0;
	s1 =	sor.u32 s0, s1  }
0x5: {  	s8 =	simm.s32 $0x1;
	s9 =	simm.s32 $0x2780;
	s1 =	sshrl.u32 s1, $0x3  }
0x6: {  	s10 =	simm.s32 $0x0;
	s30 =	sshll.u32 s0, $0x7;
	s5 =	smul.u32 $0x13C00, s1  }
0x7: {  	[smem:$0x7FF] =	sst s2;
	s3 =	ssub.s32 $0x2, s3;
	s7 =	sand.u32 $0x380, s30  }
0x8: {  	s31 =	sshrl.u32 s3, $0x1;
	s1 =	rddreg [dreg:$0x2];
	s5 =	sor.u32 s7, s5  }
0x9: {  	_ =	strace $0x80000047;
	s7 =	ssub.s32 s3, s31;
	s5 =	sshrl.u32 s5, $0x3  }
0xa: {  	s6 =	sadd.s32 s5, s6;
	s3 =	sadd.s32 s4, s5;
	s5 =	smax.u32 s7, $0x1  }
0xb: {  	v0 =	vimm.f32 $0.0e+00;
	v1 =	vimm.f32 $1.000000000e+00;
	s7 =	simm.s32 $0x400;
	s4 =	sadd.s32 $0x2000, s6;
	s6 =	simm.s32 $0x80  }
.LBB2_1:
0xc: {  	[tilespmem:s2], [sflag:$0x1] =	stream.strided.gather [hbm4b:s3+s6], $0x2780, s7, s6, $0x38;
	[tilespmem:$0x4F00] =	vst v63  }
0xd: {  	_ =	swait.ge [sflag:s8], $0x2780  }
0xe: {  	[sflag:s8] =	ssyncset.done $0x0  }
0xf: {  	s11 =	simm.s32 $0x0;
	[sflag:s8] =	ssyncadd.s32 $0xFFFFD880  }
.LBB2_2:
0x10: {  	p0 =	sne.s32 s11, $0x9C00  }
.Ltmp0:
0x11: {  	_ = 	snop;
	(pc) =	sbr.rel @p0 .LBB2_2-.Ltmp0, $3  }
0x12: {  	_ =	sdelay $0x1  }
0x13: {  	s12 =	sshra.s32 s11, $0x2  }
0x14: {  	s11 =	sadd.s32 $0x40, s11;
	[tilespmem:s12+$0x2780] =	vst v0  }
0x15: {  	s12 =	simm.s32 $0x0;
	s11 =	simm.s32 $0x40  }
.LBB2_4:
0x16: {  	p0 =	sne.s32 s11, $0x9C00;
	v2 =	vld [tilespmem:s12+$0x0];
	_ =	sdelay $0x3  }
.Ltmp1:
0x17: {  	(pc) =	sbr.rel @p0 .LBB2_4-.Ltmp1, $2  }
0x18: {  	_ =	sdelay $0x2  }
0x19: {  	s12 =	sshra.s32 s11, $0x2;
	s11 =	sadd.s32 $0x40, s11;
	[tilespmem:v2+s9+$0x0] =	vst.idx.add.f32.msk $0xffff, v1  }
0x1a: {  	v2 =	vld [tilespmem:s12+$0x0];
	_ =	sdelay $0x5  }
0x1b: {  	s10 =	sadd.s32 $0x1, s10  }
0x1c: {  	p0 =	sne.s32 s10, s5  }
.Ltmp2:
0x1d: {  	[tilespmem:v2+s9+$0x0] =	vst.idx.add.f32.msk $0xffff, v1;
	(pc) =	sbr.rel @p0 .LBB2_1-.Ltmp2, $4  }
0x1e: {  	[hbm4b:s4+s6] =	stream.strided.scatter [tilespmem:s9], [sflag:$0x1], $0x2780, s7, s6, $0x38;
	[tilespmem:$0x4F00] =	vst v63  }
0x1f: {  	_ =	swait.ge [sflag:s8], $0x2780  }
0x20: {  	[sflag:s8] =	ssyncset.done $0x0  }
0x21: {  	[sflag:s8] =	ssyncadd.s32 $0xFFFFD880  }
0x22: {  	_ =	sfence.sel $0x180000  }
0x23: {  	[bflag:$0x0] =	sbarrier.arrive $0xFFFF  }
0x24: {  	p0 =	sne.s32 s0, $0x0;
	_ =	strace $0x90000047  }
0x25: {  	s0 =	sadd.s32 @!p0 $0x100000, s1;
	[bflag:$0x2] =	sbarrier.arrive $0xFFFF  }
0x26: {  	[sflag:s0] =	ssyncadd.tile.s32 @!p0 $0x1;
	_ =	shalt  }
.Lfunc_end2:
_tile_overlayer_lowered:
.L_overlay_start_2:
0x27: {  	(tag) =	ssettag $0x2  }
0x28: {  	s0 =	rddreg [dreg:$0x0];
	s2 =	stileid.u32  }
0x29: {  	s1 =	rddreg [dreg:$0x1];
	p0 =	sne.s32 s2, $0x0  }
0x2a: {  	s3 =	rddreg [dreg:$0x2];
	[bflag:$0x3] =	sbarrier.arrive $0xFFFF;
	s2 =	simm.s32 @!p0 $0x1C01  }
0x2b: {  	[timem:s3], [sflag:s2] =	dma.local @!p0 [hbm:s0], s1  }
0x2c: {  	s0 =	simm.s32 @!p0 $0x1  }
0x2d: {  	_ =	swait.ge @!p0 [sflag:s0], s1  }
0x2e: {  	s1 =	ssub.s32 @!p0 $0x0, s1;
	[sflag:s0] =	ssyncset.done @!p0 $0x0  }
0x2f: {  	[sflag:s0] =	ssyncadd.s32 @!p0 s1  }
0x30: {  	[bflag:$0x3] =	sbarrier.arrive $0xFFFF  }
0x31: {  	_ =	shalt  }

</sc_bundles>
